<compile_context>
chip_gen: v7x
topology: tpu7x:2x2x1
jax: 0.10.2.dev20260603
libtpu: 0.0.44.dev20260713+nightly
codegen_flags: <defaults>
</compile_context>

<pallas_src>
import functools

import jax
import jax.numpy as jnp
from jax import lax
from jax.experimental import pallas as pl
from jax.experimental.pallas import tpu as pltpu
from jax.experimental.pallas import tpu_sc as plsc

_H = 32
_D = 5
_PAIRS = _D * 3
_EROWS = 1537 * _D

_NC, _NS = 2, 16
_NW = _NC * _NS
_C = 128


def _table_body(e_ref, w_ref, o_ref):
    o_ref[...] = (jnp.dot(e_ref[...], w_ref[...],
                          preferred_element_type=jnp.float32)
                  * (1.0 / 3.0)).astype(jnp.bfloat16)


def _build_table(edge_w, wcat):
    return pl.pallas_call(
        _table_body,
        out_shape=jax.ShapeDtypeStruct((edge_w.shape[0], _D * _H),
                                       jnp.bfloat16),
    )(edge_w, wcat)


def _sc_body(table, idx, out, idx_v, acc_v, spb_v, sem_a, sem_s):
    wid = lax.axis_index("s") * _NC + lax.axis_index("c")
    n_chunks = idx.shape[1] // _NW
    zrow = jnp.zeros((2 * 16,), jnp.bfloat16)

    def sub(k, carry):
        c = wid * n_chunks + k
        base = c * _C
        pltpu.sync_copy(idx.at[:, c, :], idx_v)
        for r in range(_C):
            acc_v[r] = zrow
        cps = [pltpu.async_copy(table.at[idx_v.at[p]], acc_v, sem_a, add=True)
               for p in range(_PAIRS)]
        sp_cp = pltpu.async_copy(table.at[idx_v.at[_PAIRS]], spb_v, sem_s)
        for cp in cps:
            cp.wait()
        sp_cp.wait()
        pltpu.sync_copy(acc_v, out.at[pl.ds(base, _C), pl.ds(0, _H)])
        pltpu.sync_copy(spb_v, out.at[pl.ds(base, _C), pl.ds(_H, _H)])
        return carry

    lax.fori_loop(0, n_chunks, sub, 0)


def _sc_gather(table, idx, bnn):
    f = functools.partial(
        pl.kernel,
        out_type=jax.ShapeDtypeStruct((bnn, 2 * _H), jnp.bfloat16),
        mesh=plsc.VectorSubcoreMesh(core_axis_name="c", subcore_axis_name="s",
                                    num_cores=_NC, num_subcores=_NS),
        scratch_types=[pltpu.VMEM((_PAIRS + 1, _C), jnp.int32),
                       pltpu.VMEM((_C, _H), jnp.bfloat16),
                       pltpu.VMEM((_C, _H), jnp.bfloat16),
                       pltpu.SemaphoreType.DMA,
                       pltpu.SemaphoreType.DMA],
        compiler_params=pltpu.CompilerParams(use_tc_tiling_on_sc=False,
                                             needs_layout_passes=False),
    )(_sc_body)
    return f(table, idx)


def _asm_body(ab_ref, sp_ref, es_ref, t_ref, o_ref):
    n = 64
    sp = sp_ref[0]
    spc = jnp.where(sp == 0, 1, sp)
    spc = jnp.where(spc > 1, spc - 1, spc)
    spc = jnp.clip(spc, 0, _D)
    rs = 1.0 / spc.astype(jnp.float32)
    est = jnp.transpose(es_ref[...]).astype(jnp.float32)
    interior = est[:_H] * rs + est[_H:] + 2.0 * ab_ref[0]
    interior = interior.reshape(_H, n, n)
    full = jnp.pad(interior, ((0, 0), (1, 0), (1, 0)))
    ii = lax.broadcasted_iota(jnp.int32, (n + 1, n + 1), 0)
    jj = lax.broadcasted_iota(jnp.int32, (n + 1, n + 1), 1)
    border = (ii == 0) ^ (jj == 0)
    t = t_ref[...]
    full = full + jnp.where(border[None], t[:, :, None], 0.0)
    o_ref[0] = full


def _assemble(ab3, sp3, es, t_col):
    b, _, nn = ab3.shape
    n1 = 65
    return pl.pallas_call(
        _asm_body,
        grid=(b,),
        in_specs=[
            pl.BlockSpec((1, 1, nn), lambda i: (i, 0, 0)),
            pl.BlockSpec((1, 1, nn), lambda i: (i, 0, 0)),
            pl.BlockSpec((nn, 2 * _H), lambda i: (i, 0)),
            pl.BlockSpec((_H, 1), lambda i: (0, 0)),
        ],
        out_specs=pl.BlockSpec((1, _H, n1, n1), lambda i: (i, 0, 0, 0)),
        out_shape=jax.ShapeDtypeStruct((b, _H, n1, n1), jnp.float32),
    )(ab3, sp3, es, t_col)


def kernel(attn_bias, spatial_pos, x, edge_input, attn_edge_type,
           edge_encoder_w, spatial_pos_encoder_w, edge_dis_encoder_w,
           graph_token_virtual_distance_w):
    b, n = x.shape[0], x.shape[1]
    bnn = b * n * n

    w = edge_dis_encoder_w.reshape(-1, _H, _H)[:_D]
    wcat = jnp.transpose(w, (1, 0, 2)).reshape(_H, _D * _H)
    ct = _build_table(edge_encoder_w, wcat)
    table = jnp.concatenate(
        [ct.reshape(_EROWS, _H),
         spatial_pos_encoder_w.astype(jnp.bfloat16)], axis=0)

    e = edge_input.astype(jnp.int32)
    eidx = e * _D + jnp.arange(_D, dtype=jnp.int32)[:, None]
    eidx = eidx.reshape(bnn, _PAIRS)
    sidx = spatial_pos.astype(jnp.int32).reshape(bnn, 1) + _EROWS
    idx = jnp.concatenate([eidx, sidx], axis=1).T.reshape(_PAIRS + 1,
                                                          bnn // _C, _C)

    es = _sc_gather(table, idx, bnn)

    return _assemble(
        attn_bias.reshape(b, 1, n * n),
        spatial_pos.astype(jnp.int32).reshape(b, 1, n * n),
        es,
        graph_token_virtual_distance_w.reshape(_H, 1),
    )

# --- scband reference (transcript-rebuilt; emitter-appended) ---
"""Pipeline reference for scband-graph-attn-bias-28930899706446 (READ-ONLY COPY).

The authoritative reference and input builder live on the scoring server;
editing this copy changes nothing except your own understanding.
"""

import jax, jax.numpy as jnp
import numpy as np

NUM_HEADS = 32
NUM_EDGES = 1536
NUM_SPATIAL = 512
NUM_EDGE_DIS = 128
MULTI_HOP_MAX_DIST = 5


def setup_inputs(seed: int = 0):
    key = jax.random.key(seed)
    ks = jax.random.split(key, 10)
    B, N, D, EF = 16, 64, 5, 3
    attn_bias = jax.random.normal(ks[0], (B, N, N), dtype=jnp.float32)
    spatial_pos = jax.random.randint(ks[1], (B, N, N), 0, NUM_SPATIAL)
    x = jax.random.randint(ks[2], (B, N, 9), 0, 4608)
    edge_input = jax.random.randint(ks[3], (B, N, N, D, EF), 0, NUM_EDGES + 1)
    attn_edge_type = jax.random.randint(ks[4], (B, N, N, EF), 0, NUM_EDGES + 1)
    edge_encoder_w = 0.02 * jax.random.normal(ks[5], (NUM_EDGES + 1, NUM_HEADS), dtype=jnp.float32)
    edge_encoder_w = edge_encoder_w.at[0].set(0.0)
    spatial_pos_encoder_w = 0.02 * jax.random.normal(ks[6], (NUM_SPATIAL, NUM_HEADS), dtype=jnp.float32)
    spatial_pos_encoder_w = spatial_pos_encoder_w.at[0].set(0.0)
    edge_dis_encoder_w = 0.02 * jax.random.normal(ks[7], (NUM_EDGE_DIS * NUM_HEADS * NUM_HEADS, 1), dtype=jnp.float32)
    graph_token_virtual_distance_w = 0.02 * jax.random.normal(ks[8], (1, NUM_HEADS), dtype=jnp.float32)
    return {
        "attn_bias": attn_bias,
        "spatial_pos": spatial_pos,
        "x": x,
        "edge_input": edge_input,
        "attn_edge_type": attn_edge_type,
        "edge_encoder_w": edge_encoder_w,
        "spatial_pos_encoder_w": spatial_pos_encoder_w,
        "edge_dis_encoder_w": edge_dis_encoder_w,
        "graph_token_virtual_distance_w": graph_token_virtual_distance_w,
    }


def reference(attn_bias, spatial_pos, x, edge_input, attn_edge_type,
              edge_encoder_w, spatial_pos_encoder_w, edge_dis_encoder_w,
              graph_token_virtual_distance_w):
    H = NUM_HEADS
    n_graph, n_node = x.shape[0], x.shape[1]
    # graph_attn_bias = attn_bias.unsqueeze(1).repeat(1, H, 1, 1)
    gab = jnp.tile(attn_bias[:, None, :, :], (1, H, 1, 1))
    # spatial positional bias via embedding lookup
    spb = jnp.transpose(jnp.take(spatial_pos_encoder_w, spatial_pos, axis=0), (0, 3, 1, 2))
    gab = gab + spb
    t = graph_token_virtual_distance_w.reshape(1, H, 1)
    new_bias = jnp.zeros((n_graph, H, n_node + 1, n_node + 1), dtype=gab.dtype)
    new_bias = new_bias.at[:, :, 1:, 1:].set(gab)
    new_bias = new_bias.at[:, :, 1:, 0].set(jnp.broadcast_to(t, (n_graph, H, n_node)))
    new_bias = new_bias.at[:, :, 0, 1:].set(jnp.broadcast_to(t, (n_graph, H, n_node)))
    # multi_hop edge encoding
    sp_ = jnp.where(spatial_pos == 0, 1, spatial_pos)
    sp_ = jnp.where(sp_ > 1, sp_ - 1, sp_)
    sp_ = jnp.clip(sp_, 0, MULTI_HOP_MAX_DIST)
    ei = edge_input[:, :, :, :MULTI_HOP_MAX_DIST, :]
    ei = jnp.take(edge_encoder_w, ei, axis=0).mean(-2)  # [B, N, N, D, H]
    max_dist = ei.shape[-2]
    ei_flat = jnp.transpose(ei, (3, 0, 1, 2, 4)).reshape(max_dist, -1, H)
    W = edge_dis_encoder_w.reshape(-1, H, H)[:max_dist, :, :]
    ei_flat = jnp.einsum('dbh,dhk->dbk', ei_flat, W)  # bmm over max_dist
    ei = jnp.transpose(ei_flat.reshape(max_dist, n_graph, n_node, n_node, H), (1, 2, 3, 0, 4))
    ei = jnp.transpose(ei.sum(-2) / sp_.astype(jnp.float32)[..., None], (0, 3, 1, 2))
    new_bias = new_bias.at[:, :, 1:, 1:].add(ei)
    new_bias = new_bias.at[:, :, 1:, 1:].add(attn_bias[:, None, :, :])
    return new_bias

if __name__ == "__main__":
    import jax
    _d = setup_inputs()
    print(jax.jit(kernel)(*tuple(_d.values())))

</pallas_src>

<mosaic_0001>
#map = affine_map<(d0, d1) -> (0, 0)>
#map1 = affine_map<(d0, d1) -> (0, 0, 0)>
module attributes {stable_mosaic.version = 14 : i64} {
  func.func @_sc_body(%arg0: i32, %arg1: i32, %arg2: memref<8197x32xbf16, #tpu.memory_space<hbm>>, %arg3: memref<16x512x128xi32, #tpu.memory_space<hbm>>, %arg4: memref<65536x64xbf16, #tpu.memory_space<hbm>>, %arg5: memref<16x128xi32, #tpu.memory_space<vmem>>, %arg6: memref<128x32xbf16, #tpu.memory_space<vmem>>, %arg7: memref<128x32xbf16, #tpu.memory_space<vmem>>, %arg8: memref<!tpu.dma_semaphore, #tpu.memory_space<semaphore_mem>>, %arg9: memref<!tpu.dma_semaphore, #tpu.memory_space<semaphore_mem>>) attributes {dimension_semantics = [#tpu.dimension_semantics<core_parallel>, #tpu.dimension_semantics<subcore_parallel>], iteration_bounds = array<i64: 2, 16>, scalar_prefetch = 0 : i64, scratch_operands = 5 : i64, tpu.core_type = #tpu.core_type<sc_vector_subcore>, window_params = [{transform_indices = #map}, {transform_indices = #map1}, {transform_indices = #map}]} {
    %mul3A = arith.constant 2 : i32
    %mul3A_0 = arith.muli %arg1, %mul3A : i32
    %add3A = arith.addi %mul3A_0, %arg0 : i32
    %broadcast_in_dim3A = arith.constant 0.000000e+00 : bf16
    %broadcast_in_dim3A_1 = vector.broadcast %broadcast_in_dim3A : bf16 to vector<32xbf16>
    %scan3A = arith.constant 0 : i32
    %scan3A_2 = arith.constant 0 : i32
    %scan3A_3 = arith.constant 16 : i32
    %scan3A_4 = arith.addi %scan3A_2, %scan3A_3 : i32
    %scan3A_5 = arith.constant 1 : i32
    scf.for %scan3A_7 = %scan3A_2 to %scan3A_4 step %scan3A_5  : i32 {
      %mul3A_8 = arith.constant 16 : i32
      %mul3A_9 = arith.muli %add3A, %mul3A_8 : i32
      %add3A_10 = arith.addi %mul3A_9, %scan3A_7 : i32
      %mul3A_11 = arith.constant 128 : i32
      %mul3A_12 = arith.muli %add3A_10, %mul3A_11 : i32
      "tpu.region"() ({
        %run_scoped3A = tpu.sem_alloc : memref<!tpu.dma_semaphore, #tpu.memory_space<semaphore_mem>>
        %dma_start3A_746 = arith.constant 0 : i32
        %dma_start3A_747 = arith.constant 0 : i32
        %dma_start3A_748 = tpu.memref_slice %arg3[%dma_start3A_746, %add3A_10, %dma_start3A_747] : memref<16x512x128xi32, #tpu.memory_space<hbm>> -> memref<16x1x128xi32, #tpu.memory_space<hbm>>
        %dma_start3A_749 = tpu.memref_squeeze %dma_start3A_748 : memref<16x1x128xi32, #tpu.memory_space<hbm>> -> memref<16x128xi32, #tpu.memory_space<hbm>>
        %dma_start3A_750 = arith.constant 0 : i32
        %dma_start3A_751 = arith.constant 0 : i32
        %dma_start3A_752 = tpu.memref_slice %arg3[%dma_start3A_750, %add3A_10, %dma_start3A_751] : memref<16x512x128xi32, #tpu.memory_space<hbm>> -> memref<16x1x128xi32, #tpu.memory_space<hbm>>
        %dma_start3A_753 = tpu.memref_squeeze %dma_start3A_752 : memref<16x1x128xi32, #tpu.memory_space<hbm>> -> memref<16x128xi32, #tpu.memory_space<hbm>>
        tpu.enqueue_dma source(%dma_start3A_753 : memref<16x128xi32, #tpu.memory_space<hbm>>) target(%arg5 : memref<16x128xi32, #tpu.memory_space<vmem>>) target_semaphore(%run_scoped3A : memref<!tpu.dma_semaphore, #tpu.memory_space<semaphore_mem>>)
        %dma_wait3A_754 = arith.constant 0 : i32
        %dma_wait3A_755 = arith.constant 0 : i32
        %dma_wait3A_756 = tpu.memref_slice %arg3[%dma_wait3A_754, %add3A_10, %dma_wait3A_755] : memref<16x512x128xi32, #tpu.memory_space<hbm>> -> memref<16x1x128xi32, #tpu.memory_space<hbm>>
        %dma_wait3A_757 = tpu.memref_squeeze %dma_wait3A_756 : memref<16x1x128xi32, #tpu.memory_space<hbm>> -> memref<16x128xi32, #tpu.memory_space<hbm>>
        %dma_wait3A_758 = arith.constant 0 : i32
        %dma_wait3A_759 = arith.constant 0 : i32
        %dma_wait3A_760 = tpu.memref_slice %arg3[%dma_wait3A_758, %add3A_10, %dma_wait3A_759] : memref<16x512x128xi32, #tpu.memory_space<hbm>> -> memref<16x1x128xi32, #tpu.memory_space<hbm>>
        %dma_wait3A_761 = tpu.memref_squeeze %dma_wait3A_760 : memref<16x1x128xi32, #tpu.memory_space<hbm>> -> memref<16x128xi32, #tpu.memory_space<hbm>>
        tpu.wait_dma2 semaphore(%run_scoped3A : memref<!tpu.dma_semaphore, #tpu.memory_space<semaphore_mem>>) src(%dma_wait3A_761 : memref<16x128xi32, #tpu.memory_space<hbm>>) dst(%arg5 : memref<16x128xi32, #tpu.memory_space<vmem>>)
        tpu.yield
      }) : () -> ()
      %swap3A = arith.constant 0 : i32
      %swap3A_13 = arith.index_cast %swap3A : i32 to index
      %swap3A_14 = arith.constant 0 : index
      %swap3A_15 = tpu.vector_load %arg6[%swap3A_13, %swap3A_14] {strides = array<i32>} : memref<128x32xbf16, #tpu.memory_space<vmem>>, vector<32xbf16>,
      tpu.vector_store %arg6[%swap3A_13, %swap3A_14], %broadcast_in_dim3A_1 {strides = array<i32>} : memref<128x32xbf16, #tpu.memory_space<vmem>>, vector<32xbf16>,
      %swap3A_16 = arith.constant 1 : i32
      %swap3A_17 = arith.index_cast %swap3A_16 : i32 to index
      %swap3A_18 = arith.constant 0 : index
      %swap3A_19 = tpu.vector_load %arg6[%swap3A_17, %swap3A_18] {strides = array<i32>} : memref<128x32xbf16, #tpu.memory_space<vmem>>, vector<32xbf16>,
      tpu.vector_store %arg6[%swap3A_17, %swap3A_18], %broadcast_in_dim3A_1 {strides = array<i32>} : memref<128x32xbf16, #tpu.memory_space<vmem>>, vector<32xbf16>,
      %swap3A_20 = arith.constant 2 : i32
      %swap3A_21 = arith.index_cast %swap3A_20 : i32 to index
      %swap3A_22 = arith.constant 0 : index
      %swap3A_23 = tpu.vector_load %arg6[%swap3A_21, %swap3A_22] {strides = array<i32>} : memref<128x32xbf16, #tpu.memory_space<vmem>>, vector<32xbf16>,
      tpu.vector_store %arg6[%swap3A_21, %swap3A_22], %broadcast_in_dim3A_1 {strides = array<i32>} : memref<128x32xbf16, #tpu.memory_space<vmem>>, vector<32xbf16>,
      %swap3A_24 = arith.constant 3 : i32
      %swap3A_25 = arith.index_cast %swap3A_24 : i32 to index
      %swap3A_26 = arith.constant 0 : index
      %swap3A_27 = tpu.vector_load %arg6[%swap3A_25, %swap3A_26] {strides = array<i32>} : memref<128x32xbf16, #tpu.memory_space<vmem>>, vector<32xbf16>,
      tpu.vector_store %arg6[%swap3A_25, %swap3A_26], %broadcast_in_dim3A_1 {strides = array<i32>} : memref<128x32xbf16, #tpu.memory_space<vmem>>, vector<32xbf16>,
      %swap3A_28 = arith.constant 4 : i32
      %swap3A_29 = arith.index_cast %swap3A_28 : i32 to index
      %swap3A_30 = arith.constant 0 : index
      %swap3A_31 = tpu.vector_load %arg6[%swap3A_29, %swap3A_30] {strides = array<i32>} : memref<128x32xbf16, #tpu.memory_space<vmem>>, vector<32xbf16>,
      tpu.vector_store %arg6[%swap3A_29, %swap3A_30], %broadcast_in_dim3A_1 {strides = array<i32>} : memref<128x32xbf16, #tpu.memory_space<vmem>>, vector<32xbf16>,
      %swap3A_32 = arith.constant 5 : i32
      %swap3A_33 = arith.index_cast %swap3A_32 : i32 to index
      %swap3A_34 = arith.constant 0 : index
      %swap3A_35 = tpu.vector_load %arg6[%swap3A_33, %swap3A_34] {strides = array<i32>} : memref<128x32xbf16, #tpu.memory_space<vmem>>, vector<32xbf16>,
      tpu.vector_store %arg6[%swap3A_33, %swap3A_34], %broadcast_in_dim3A_1 {strides = array<i32>} : memref<128x32xbf16, #tpu.memory_space<vmem>>, vector<32xbf16>,
      %swap3A_36 = arith.constant 6 : i32
      %swap3A_37 = arith.index_cast %swap3A_36 : i32 to index
      %swap3A_38 = arith.constant 0 : index
      %swap3A_39 = tpu.vector_load %arg6[%swap3A_37, %swap3A_38] {strides = array<i32>} : memref<128x32xbf16, #tpu.memory_space<vmem>>, vector<32xbf16>,
      tpu.vector_store %arg6[%swap3A_37, %swap3A_38], %broadcast_in_dim3A_1 {strides = array<i32>} : memref<128x32xbf16, #tpu.memory_space<vmem>>, vector<32xbf16>,
      %swap3A_40 = arith.constant 7 : i32
      %swap3A_41 = arith.index_cast %swap3A_40 : i32 to index
      %swap3A_42 = arith.constant 0 : index
      %swap3A_43 = tpu.vector_load %arg6[%swap3A_41, %swap3A_42] {strides = array<i32>} : memref<128x32xbf16, #tpu.memory_space<vmem>>, vector<32xbf16>,
      tpu.vector_store %arg6[%swap3A_41, %swap3A_42], %broadcast_in_dim3A_1 {strides = array<i32>} : memref<128x32xbf16, #tpu.memory_space<vmem>>, vector<32xbf16>,
      %swap3A_44 = arith.constant 8 : i32
      %swap3A_45 = arith.index_cast %swap3A_44 : i32 to index
      %swap3A_46 = arith.constant 0 : index
      %swap3A_47 = tpu.vector_load %arg6[%swap3A_45, %swap3A_46] {strides = array<i32>} : memref<128x32xbf16, #tpu.memory_space<vmem>>, vector<32xbf16>,
      tpu.vector_store %arg6[%swap3A_45, %swap3A_46], %broadcast_in_dim3A_1 {strides = array<i32>} : memref<128x32xbf16, #tpu.memory_space<vmem>>, vector<32xbf16>,
      %swap3A_48 = arith.constant 9 : i32
      %swap3A_49 = arith.index_cast %swap3A_48 : i32 to index
      %swap3A_50 = arith.constant 0 : index
      %swap3A_51 = tpu.vector_load %arg6[%swap3A_49, %swap3A_50] {strides = array<i32>} : memref<128x32xbf16, #tpu.memory_space<vmem>>, vector<32xbf16>,
      tpu.vector_store %arg6[%swap3A_49, %swap3A_50], %broadcast_in_dim3A_1 {strides = array<i32>} : memref<128x32xbf16, #tpu.memory_space<vmem>>, vector<32xbf16>,
      %swap3A_52 = arith.constant 10 : i32
      %swap3A_53 = arith.index_cast %swap3A_52 : i32 to index
      %swap3A_54 = arith.constant 0 : index
      %swap3A_55 = tpu.vector_load %arg6[%swap3A_53, %swap3A_54] {strides = array<i32>} : memref<128x32xbf16, #tpu.memory_space<vmem>>, vector<32xbf16>,
      tpu.vector_store %arg6[%swap3A_53, %swap3A_54], %broadcast_in_dim3A_1 {strides = array<i32>} : memref<128x32xbf16, #tpu.memory_space<vmem>>, vector<32xbf16>,
      %swap3A_56 = arith.constant 11 : i32
      %swap3A_57 = arith.index_cast %swap3A_56 : i32 to index
      %swap3A_58 = arith.constant 0 : index
      %swap3A_59 = tpu.vector_load %arg6[%swap3A_57, %swap3A_58] {strides = array<i32>} : memref<128x32xbf16, #tpu.memory_space<vmem>>, vector<32xbf16>,
      tpu.vector_store %arg6[%swap3A_57, %swap3A_58], %broadcast_in_dim3A_1 {strides = array<i32>} : memref<128x32xbf16, #tpu.memory_space<vmem>>, vector<32xbf16>,
      %swap3A_60 = arith.constant 12 : i32
      %swap3A_61 = arith.index_cast %swap3A_60 : i32 to index
      %swap3A_62 = arith.constant 0 : index
      %swap3A_63 = tpu.vector_load %arg6[%swap3A_61, %swap3A_62] {strides = array<i32>} : memref<128x32xbf16, #tpu.memory_space<vmem>>, vector<32xbf16>,
      tpu.vector_store %arg6[%swap3A_61, %swap3A_62], %broadcast_in_dim3A_1 {strides = array<i32>} : memref<128x32xbf16, #tpu.memory_space<vmem>>, vector<32xbf16>,
      %swap3A_64 = arith.constant 13 : i32
      %swap3A_65 = arith.index_cast %swap3A_64 : i32 to index
      %swap3A_66 = arith.constant 0 : index
      %swap3A_67 = tpu.vector_load %arg6[%swap3A_65, %swap3A_66] {strides = array<i32>} : memref<128x32xbf16, #tpu.memory_space<vmem>>, vector<32xbf16>,
      tpu.vector_store %arg6[%swap3A_65, %swap3A_66], %broadcast_in_dim3A_1 {strides = array<i32>} : memref<128x32xbf16, #tpu.memory_space<vmem>>, vector<32xbf16>,
      %swap3A_68 = arith.constant 14 : i32
      %swap3A_69 = arith.index_cast %swap3A_68 : i32 to index
      %swap3A_70 = arith.constant 0 : index
      %swap3A_71 = tpu.vector_load %arg6[%swap3A_69, %swap3A_70] {strides = array<i32>} : memref<128x32xbf16, #tpu.memory_space<vmem>>, vector<32xbf16>,
      tpu.vector_store %arg6[%swap3A_69, %swap3A_70], %broadcast_in_dim3A_1 {strides = array<i32>} : memref<128x32xbf16, #tpu.memory_space<vmem>>, vector<32xbf16>,
      %swap3A_72 = arith.constant 15 : i32
      %swap3A_73 = arith.index_cast %swap3A_72 : i32 to index
      %swap3A_74 = arith.constant 0 : index
      %swap3A_75 = tpu.vector_load %arg6[%swap3A_73, %swap3A_74] {strides = array<i32>} : memref<128x32xbf16, #tpu.memory_space<vmem>>, vector<32xbf16>,
      tpu.vector_store %arg6[%swap3A_73, %swap3A_74], %broadcast_in_dim3A_1 {strides = array<i32>} : memref<128x32xbf16, #tpu.memory_space<vmem>>, vector<32xbf16>,
      %swap3A_76 = arith.constant 16 : i32
      %swap3A_77 = arith.index_cast %swap3A_76 : i32 to index
      %swap3A_78 = arith.constant 0 : index
      %swap3A_79 = tpu.vector_load %arg6[%swap3A_77, %swap3A_78] {strides = array<i32>} : memref<128x32xbf16, #tpu.memory_space<vmem>>, vector<32xbf16>,
      tpu.vector_store %arg6[%swap3A_77, %swap3A_78], %broadcast_in_dim3A_1 {strides = array<i32>} : memref<128x32xbf16, #tpu.memory_space<vmem>>, vector<32xbf16>,
      %swap3A_80 = arith.constant 17 : i32
      %swap3A_81 = arith.index_cast %swap3A_80 : i32 to index
      %swap3A_82 = arith.constant 0 : index
      %swap3A_83 = tpu.vector_load %arg6[%swap3A_81, %swap3A_82] {strides = array<i32>} : memref<128x32xbf16, #tpu.memory_space<vmem>>, vector<32xbf16>,
      tpu.vector_store %arg6[%swap3A_81, %swap3A_82], %broadcast_in_dim3A_1 {strides = array<i32>} : memref<128x32xbf16, #tpu.memory_space<vmem>>, vector<32xbf16>,
      %swap3A_84 = arith.constant 18 : i32
      %swap3A_85 = arith.index_cast %swap3A_84 : i32 to index
      %swap3A_86 = arith.constant 0 : index
      %swap3A_87 = tpu.vector_load %arg6[%swap3A_85, %swap3A_86] {strides = array<i32>} : memref<128x32xbf16, #tpu.memory_space<vmem>>, vector<32xbf16>,
      tpu.vector_store %arg6[%swap3A_85, %swap3A_86], %broadcast_in_dim3A_1 {strides = array<i32>} : memref<128x32xbf16, #tpu.memory_space<vmem>>, vector<32xbf16>,
      %swap3A_88 = arith.constant 19 : i32
      %swap3A_89 = arith.index_cast %swap3A_88 : i32 to index
      %swap3A_90 = arith.constant 0 : index
      %swap3A_91 = tpu.vector_load %arg6[%swap3A_89, %swap3A_90] {strides = array<i32>} : memref<128x32xbf16, #tpu.memory_space<vmem>>, vector<32xbf16>,
      tpu.vector_store %arg6[%swap3A_89, %swap3A_90], %broadcast_in_dim3A_1 {strides = array<i32>} : memref<128x32xbf16, #tpu.memory_space<vmem>>, vector<32xbf16>,
      %swap3A_92 = arith.constant 20 : i32
      %swap3A_93 = arith.index_cast %swap3A_92 : i32 to index
      %swap3A_94 = arith.constant 0 : index
      %swap3A_95 = tpu.vector_load %arg6[%swap3A_93, %swap3A_94] {strides = array<i32>} : memref<128x32xbf16, #tpu.memory_space<vmem>>, vector<32xbf16>,
      tpu.vector_store %arg6[%swap3A_93, %swap3A_94], %broadcast_in_dim3A_1 {strides = array<i32>} : memref<128x32xbf16, #tpu.memory_space<vmem>>, vector<32xbf16>,
      %swap3A_96 = arith.constant 21 : i32
      %swap3A_97 = arith.index_cast %swap3A_96 : i32 to index
      %swap3A_98 = arith.constant 0 : index
      %swap3A_99 = tpu.vector_load %arg6[%swap3A_97, %swap3A_98] {strides = array<i32>} : memref<128x32xbf16, #tpu.memory_space<vmem>>, vector<32xbf16>,
      tpu.vector_store %arg6[%swap3A_97, %swap3A_98], %broadcast_in_dim3A_1 {strides = array<i32>} : memref<128x32xbf16, #tpu.memory_space<vmem>>, vector<32xbf16>,
      %swap3A_100 = arith.constant 22 : i32
      %swap3A_101 = arith.index_cast %swap3A_100 : i32 to index
      %swap3A_102 = arith.constant 0 : index
      %swap3A_103 = tpu.vector_load %arg6[%swap3A_101, %swap3A_102] {strides = array<i32>} : memref<128x32xbf16, #tpu.memory_space<vmem>>, vector<32xbf16>,
      tpu.vector_store %arg6[%swap3A_101, %swap3A_102], %broadcast_in_dim3A_1 {strides = array<i32>} : memref<128x32xbf16, #tpu.memory_space<vmem>>, vector<32xbf16>,
      %swap3A_104 = arith.constant 23 : i32
      %swap3A_105 = arith.index_cast %swap3A_104 : i32 to index
      %swap3A_106 = arith.constant 0 : index
      %swap3A_107 = tpu.vector_load %arg6[%swap3A_105, %swap3A_106] {strides = array<i32>} : memref<128x32xbf16, #tpu.memory_space<vmem>>, vector<32xbf16>,
      tpu.vector_store %arg6[%swap3A_105, %swap3A_106], %broadcast_in_dim3A_1 {strides = array<i32>} : memref<128x32xbf16, #tpu.memory_space<vmem>>, vector<32xbf16>,
      %swap3A_108 = arith.constant 24 : i32
      %swap3A_109 = arith.index_cast %swap3A_108 : i32 to index
      %swap3A_110 = arith.constant 0 : index
      %swap3A_111 = tpu.vector_load %arg6[%swap3A_109, %swap3A_110] {strides = array<i32>} : memref<128x32xbf16, #tpu.memory_space<vmem>>, vector<32xbf16>,
      tpu.vector_store %arg6[%swap3A_109, %swap3A_110], %broadcast_in_dim3A_1 {strides = array<i32>} : memref<128x32xbf16, #tpu.memory_space<vmem>>, vector<32xbf16>,
      %swap3A_112 = arith.constant 25 : i32
      %swap3A_113 = arith.index_cast %swap3A_112 : i32 to index
      %swap3A_114 = arith.constant 0 : index
      %swap3A_115 = tpu.vector_load %arg6[%swap3A_113, %swap3A_114] {strides = array<i32>} : memref<128x32xbf16, #tpu.memory_space<vmem>>, vector<32xbf16>,
      tpu.vector_store %arg6[%swap3A_113, %swap3A_114], %broadcast_in_dim3A_1 {strides = array<i32>} : memref<128x32xbf16, #tpu.memory_space<vmem>>, vector<32xbf16>,
      %swap3A_116 = arith.constant 26 : i32
      %swap3A_117 = arith.index_cast %swap3A_116 : i32 to index
      %swap3A_118 = arith.constant 0 : index
      %swap3A_119 = tpu.vector_load %arg6[%swap3A_117, %swap3A_118] {strides = array<i32>} : memref<128x32xbf16, #tpu.memory_space<vmem>>, vector<32xbf16>,
      tpu.vector_store %arg6[%swap3A_117, %swap3A_118], %broadcast_in_dim3A_1 {strides = array<i32>} : memref<128x32xbf16, #tpu.memory_space<vmem>>, vector<32xbf16>,
      %swap3A_120 = arith.constant 27 : i32
      %swap3A_121 = arith.index_cast %swap3A_120 : i32 to index
      %swap3A_122 = arith.constant 0 : index
      %swap3A_123 = tpu.vector_load %arg6[%swap3A_121, %swap3A_122] {strides = array<i32>} : memref<128x32xbf16, #tpu.memory_space<vmem>>, vector<32xbf16>,
      tpu.vector_store %arg6[%swap3A_121, %swap3A_122], %broadcast_in_dim3A_1 {strides = array<i32>} : memref<128x32xbf16, #tpu.memory_space<vmem>>, vector<32xbf16>,
      %swap3A_124 = arith.constant 28 : i32
      %swap3A_125 = arith.index_cast %swap3A_124 : i32 to index
      %swap3A_126 = arith.constant 0 : index
      %swap3A_127 = tpu.vector_load %arg6[%swap3A_125, %swap3A_126] {strides = array<i32>} : memref<128x32xbf16, #tpu.memory_space<vmem>>, vector<32xbf16>,
      tpu.vector_store %arg6[%swap3A_125, %swap3A_126], %broadcast_in_dim3A_1 {strides = array<i32>} : memref<128x32xbf16, #tpu.memory_space<vmem>>, vector<32xbf16>,
      %swap3A_128 = arith.constant 29 : i32
      %swap3A_129 = arith.index_cast %swap3A_128 : i32 to index
      %swap3A_130 = arith.constant 0 : index
      %swap3A_131 = tpu.vector_load %arg6[%swap3A_129, %swap3A_130] {strides = array<i32>} : memref<128x32xbf16, #tpu.memory_space<vmem>>, vector<32xbf16>,
      tpu.vector_store %arg6[%swap3A_129, %swap3A_130], %broadcast_in_dim3A_1 {strides = array<i32>} : memref<128x32xbf16, #tpu.memory_space<vmem>>, vector<32xbf16>,
      %swap3A_132 = arith.constant 30 : i32
      %swap3A_133 = arith.index_cast %swap3A_132 : i32 to index
      %swap3A_134 = arith.constant 0 : index
      %swap3A_135 = tpu.vector_load %arg6[%swap3A_133, %swap3A_134] {strides = array<i32>} : memref<128x32xbf16, #tpu.memory_space<vmem>>, vector<32xbf16>,
      tpu.vector_store %arg6[%swap3A_133, %swap3A_134], %broadcast_in_dim3A_1 {strides = array<i32>} : memref<128x32xbf16, #tpu.memory_space<vmem>>, vector<32xbf16>,
      %swap3A_136 = arith.constant 31 : i32
      %swap3A_137 = arith.index_cast %swap3A_136 : i32 to index
      %swap3A_138 = arith.constant 0 : index
      %swap3A_139 = tpu.vector_load %arg6[%swap3A_137, %swap3A_138] {strides = array<i32>} : memref<128x32xbf16, #tpu.memory_space<vmem>>, vector<32xbf16>,
      tpu.vector_store %arg6[%swap3A_137, %swap3A_138], %broadcast_in_dim3A_1 {strides = array<i32>} : memref<128x32xbf16, #tpu.memory_space<vmem>>, vector<32xbf16>,
      %swap3A_140 = arith.constant 32 : i32
      %swap3A_141 = arith.index_cast %swap3A_140 : i32 to index
      %swap3A_142 = arith.constant 0 : index
      %swap3A_143 = tpu.vector_load %arg6[%swap3A_141, %swap3A_142] {strides = array<i32>} : memref<128x32xbf16, #tpu.memory_space<vmem>>, vector<32xbf16>,
      tpu.vector_store %arg6[%swap3A_141, %swap3A_142], %broadcast_in_dim3A_1 {strides = array<i32>} : memref<128x32xbf16, #tpu.memory_space<vmem>>, vector<32xbf16>,
      %swap3A_144 = arith.constant 33 : i32
      %swap3A_145 = arith.index_cast %swap3A_144 : i32 to index
      %swap3A_146 = arith.constant 0 : index
      %swap3A_147 = tpu.vector_load %arg6[%swap3A_145, %swap3A_146] {strides = array<i32>} : memref<128x32xbf16, #tpu.memory_space<vmem>>, vector<32xbf16>,
      tpu.vector_store %arg6[%swap3A_145, %swap3A_146], %broadcast_in_dim3A_1 {strides = array<i32>} : memref<128x32xbf16, #tpu.memory_space<vmem>>, vector<32xbf16>,
      %swap3A_148 = arith.constant 34 : i32
      %swap3A_149 = arith.index_cast %swap3A_148 : i32 to index
      %swap3A_150 = arith.constant 0 : index
      %swap3A_151 = tpu.vector_load %arg6[%swap3A_149, %swap3A_150] {strides = array<i32>} : memref<128x32xbf16, #tpu.memory_space<vmem>>, vector<32xbf16>,
      tpu.vector_store %arg6[%swap3A_149, %swap3A_150], %broadcast_in_dim3A_1 {strides = array<i32>} : memref<128x32xbf16, #tpu.memory_space<vmem>>, vector<32xbf16>,
      %swap3A_152 = arith.constant 35 : i32
      %swap3A_153 = arith.index_cast %swap3A_152 : i32 to index
      %swap3A_154 = arith.constant 0 : index
      %swap3A_155 = tpu.vector_load %arg6[%swap3A_153, %swap3A_154] {strides = array<i32>} : memref<128x32xbf16, #tpu.memory_space<vmem>>, vector<32xbf16>,
      tpu.vector_store %arg6[%swap3A_153, %swap3A_154], %broadcast_in_dim3A_1 {strides = array<i32>} : memref<128x32xbf16, #tpu.memory_space<vmem>>, vector<32xbf16>,
      %swap3A_156 = arith.constant 36 : i32
      %swap3A_157 = arith.index_cast %swap3A_156 : i32 to index
      %swap3A_158 = arith.constant 0 : index
      %swap3A_159 = tpu.vector_load %arg6[%swap3A_157, %swap3A_158] {strides = array<i32>} : memref<128x32xbf16, #tpu.memory_space<vmem>>, vector<32xbf16>,
      tpu.vector_store %arg6[%swap3A_157, %swap3A_158], %broadcast_in_dim3A_1 {strides = array<i32>} : memref<128x32xbf16, #tpu.memory_space<vmem>>, vector<32xbf16>,
      %swap3A_160 = arith.constant 37 : i32
      %swap3A_161 = arith.index_cast %swap3A_160 : i32 to index
      %swap3A_162 = arith.constant 0 : index
      %swap3A_163 = tpu.vector_load %arg6[%swap3A_161, %swap3A_162] {strides = array<i32>} : memref<128x32xbf16, #tpu.memory_space<vmem>>, vector<32xbf16>,
      tpu.vector_store %arg6[%swap3A_161, %swap3A_162], %broadcast_in_dim3A_1 {strides = array<i32>} : memref<128x32xbf16, #tpu.memory_space<vmem>>, vector<32xbf16>,
      %swap3A_164 = arith.constant 38 : i32
      %swap3A_165 = arith.index_cast %swap3A_164 : i32 to index
      %swap3A_166 = arith.constant 0 : index
      %swap3A_167 = tpu.vector_load %arg6[%swap3A_165, %swap3A_166] {strides = array<i32>} : memref<128x32xbf16, #tpu.memory_space<vmem>>, vector<32xbf16>,
      tpu.vector_store %arg6[%swap3A_165, %swap3A_166], %broadcast_in_dim3A_1 {strides = array<i32>} : memref<128x32xbf16, #tpu.memory_space<vmem>>, vector<32xbf16>,
      %swap3A_168 = arith.constant 39 : i32
      %swap3A_169 = arith.index_cast %swap3A_168 : i32 to index
      %swap3A_170 = arith.constant 0 : index
      %swap3A_171 = tpu.vector_load %arg6[%swap3A_169, %swap3A_170] {strides = array<i32>} : memref<128x32xbf16, #tpu.memory_space<vmem>>, vector<32xbf16>,
      tpu.vector_store %arg6[%swap3A_169, %swap3A_170], %broadcast_in_dim3A_1 {strides = array<i32>} : memref<128x32xbf16, #tpu.memory_space<vmem>>, vector<32xbf16>,
      %swap3A_172 = arith.constant 40 : i32
      %swap3A_173 = arith.index_cast %swap3A_172 : i32 to index
      %swap3A_174 = arith.constant 0 : index
      %swap3A_175 = tpu.vector_load %arg6[%swap3A_173, %swap3A_174] {strides = array<i32>} : memref<128x32xbf16, #tpu.memory_space<vmem>>, vector<32xbf16>,
      tpu.vector_store %arg6[%swap3A_173, %swap3A_174], %broadcast_in_dim3A_1 {strides = array<i32>} : memref<128x32xbf16, #tpu.memory_space<vmem>>, vector<32xbf16>,
      %swap3A_176 = arith.constant 41 : i32
      %swap3A_177 = arith.index_cast %swap3A_176 : i32 to index
      %swap3A_178 = arith.constant 0 : index
      %swap3A_179 = tpu.vector_load %arg6[%swap3A_177, %swap3A_178] {strides = array<i32>} : memref<128x32xbf16, #tpu.memory_space<vmem>>, vector<32xbf16>,
      tpu.vector_store %arg6[%swap3A_177, %swap3A_178], %broadcast_in_dim3A_1 {strides = array<i32>} : memref<128x32xbf16, #tpu.memory_space<vmem>>, vector<32xbf16>,
      %swap3A_180 = arith.constant 42 : i32
      %swap3A_181 = arith.index_cast %swap3A_180 : i32 to index
      %swap3A_182 = arith.constant 0 : index
      %swap3A_183 = tpu.vector_load %arg6[%swap3A_181, %swap3A_182] {strides = array<i32>} : memref<128x32xbf16, #tpu.memory_space<vmem>>, vector<32xbf16>,
      tpu.vector_store %arg6[%swap3A_181, %swap3A_182], %broadcast_in_dim3A_1 {strides = array<i32>} : memref<128x32xbf16, #tpu.memory_space<vmem>>, vector<32xbf16>,
      %swap3A_184 = arith.constant 43 : i32
      %swap3A_185 = arith.index_cast %swap3A_184 : i32 to index
      %swap3A_186 = arith.constant 0 : index
      %swap3A_187 = tpu.vector_load %arg6[%swap3A_185, %swap3A_186] {strides = array<i32>} : memref<128x32xbf16, #tpu.memory_space<vmem>>, vector<32xbf16>,
      tpu.vector_store %arg6[%swap3A_185, %swap3A_186], %broadcast_in_dim3A_1 {strides = array<i32>} : memref<128x32xbf16, #tpu.memory_space<vmem>>, vector<32xbf16>,
      %swap3A_188 = arith.constant 44 : i32
      %swap3A_189 = arith.index_cast %swap3A_188 : i32 to index
      %swap3A_190 = arith.constant 0 : index
      %swap3A_191 = tpu.vector_load %arg6[%swap3A_189, %swap3A_190] {strides = array<i32>} : memref<128x32xbf16, #tpu.memory_space<vmem>>, vector<32xbf16>,
      tpu.vector_store %arg6[%swap3A_189, %swap3A_190], %broadcast_in_dim3A_1 {strides = array<i32>} : memref<128x32xbf16, #tpu.memory_space<vmem>>, vector<32xbf16>,
      %swap3A_192 = arith.constant 45 : i32
      %swap3A_193 = arith.index_cast %swap3A_192 : i32 to index
      %swap3A_194 = arith.constant 0 : index
      %swap3A_195 = tpu.vector_load %arg6[%swap3A_193, %swap3A_194] {strides = array<i32>} : memref<128x32xbf16, #tpu.memory_space<vmem>>, vector<32xbf16>,
      tpu.vector_store %arg6[%swap3A_193, %swap3A_194], %broadcast_in_dim3A_1 {strides = array<i32>} : memref<128x32xbf16, #tpu.memory_space<vmem>>, vector<32xbf16>,
      %swap3A_196 = arith.constant 46 : i32
      %swap3A_197 = arith.index_cast %swap3A_196 : i32 to index
      %swap3A_198 = arith.constant 0 : index
      %swap3A_199 = tpu.vector_load %arg6[%swap3A_197, %swap3A_198] {strides = array<i32>} : memref<128x32xbf16, #tpu.memory_space<vmem>>, vector<32xbf16>,
      tpu.vector_store %arg6[%swap3A_197, %swap3A_198], %broadcast_in_dim3A_1 {strides = array<i32>} : memref<128x32xbf16, #tpu.memory_space<vmem>>, vector<32xbf16>,
      %swap3A_200 = arith.constant 47 : i32
      %swap3A_201 = arith.index_cast %swap3A_200 : i32 to index
      %swap3A_202 = arith.constant 0 : index
      %swap3A_203 = tpu.vector_load %arg6[%swap3A_201, %swap3A_202] {strides = array<i32>} : memref<128x32xbf16, #tpu.memory_space<vmem>>, vector<32xbf16>,
      tpu.vector_store %arg6[%swap3A_201, %swap3A_202], %broadcast_in_dim3A_1 {strides = array<i32>} : memref<128x32xbf16, #tpu.memory_space<vmem>>, vector<32xbf16>,
      %swap3A_204 = arith.constant 48 : i32
      %swap3A_205 = arith.index_cast %swap3A_204 : i32 to index
      %swap3A_206 = arith.constant 0 : index
      %swap3A_207 = tpu.vector_load %arg6[%swap3A_205, %swap3A_206] {strides = array<i32>} : memref<128x32xbf16, #tpu.memory_space<vmem>>, vector<32xbf16>,
      tpu.vector_store %arg6[%swap3A_205, %swap3A_206], %broadcast_in_dim3A_1 {strides = array<i32>} : memref<128x32xbf16, #tpu.memory_space<vmem>>, vector<32xbf16>,
      %swap3A_208 = arith.constant 49 : i32
      %swap3A_209 = arith.index_cast %swap3A_208 : i32 to index
      %swap3A_210 = arith.constant 0 : index
      %swap3A_211 = tpu.vector_load %arg6[%swap3A_209, %swap3A_210] {strides = array<i32>} : memref<128x32xbf16, #tpu.memory_space<vmem>>, vector<32xbf16>,
      tpu.vector_store %arg6[%swap3A_209, %swap3A_210], %broadcast_in_dim3A_1 {strides = array<i32>} : memref<128x32xbf16, #tpu.memory_space<vmem>>, vector<32xbf16>,
      %swap3A_212 = arith.constant 50 : i32
      %swap3A_213 = arith.index_cast %swap3A_212 : i32 to index
      %swap3A_214 = arith.constant 0 : index
      %swap3A_215 = tpu.vector_load %arg6[%swap3A_213, %swap3A_214] {strides = array<i32>} : memref<128x32xbf16, #tpu.memory_space<vmem>>, vector<32xbf16>,
      tpu.vector_store %arg6[%swap3A_213, %swap3A_214], %broadcast_in_dim3A_1 {strides = array<i32>} : memref<128x32xbf16, #tpu.memory_space<vmem>>, vector<32xbf16>,
      %swap3A_216 = arith.constant 51 : i32
      %swap3A_217 = arith.index_cast %swap3A_216 : i32 to index
      %swap3A_218 = arith.constant 0 : index
      %swap3A_219 = tpu.vector_load %arg6[%swap3A_217, %swap3A_218] {strides = array<i32>} : memref<128x32xbf16, #tpu.memory_space<vmem>>, vector<32xbf16>,
      tpu.vector_store %arg6[%swap3A_217, %swap3A_218], %broadcast_in_dim3A_1 {strides = array<i32>} : memref<128x32xbf16, #tpu.memory_space<vmem>>, vector<32xbf16>,
      %swap3A_220 = arith.constant 52 : i32
      %swap3A_221 = arith.index_cast %swap3A_220 : i32 to index
      %swap3A_222 = arith.constant 0 : index
      %swap3A_223 = tpu.vector_load %arg6[%swap3A_221, %swap3A_222] {strides = array<i32>} : memref<128x32xbf16, #tpu.memory_space<vmem>>, vector<32xbf16>,
      tpu.vector_store %arg6[%swap3A_221, %swap3A_222], %broadcast_in_dim3A_1 {strides = array<i32>} : memref<128x32xbf16, #tpu.memory_space<vmem>>, vector<32xbf16>,
      %swap3A_224 = arith.constant 53 : i32
      %swap3A_225 = arith.index_cast %swap3A_224 : i32 to index
      %swap3A_226 = arith.constant 0 : index
      %swap3A_227 = tpu.vector_load %arg6[%swap3A_225, %swap3A_226] {strides = array<i32>} : memref<128x32xbf16, #tpu.memory_space<vmem>>, vector<32xbf16>,
      tpu.vector_store %arg6[%swap3A_225, %swap3A_226], %broadcast_in_dim3A_1 {strides = array<i32>} : memref<128x32xbf16, #tpu.memory_space<vmem>>, vector<32xbf16>,
      %swap3A_228 = arith.constant 54 : i32
      %swap3A_229 = arith.index_cast %swap3A_228 : i32 to index
      %swap3A_230 = arith.constant 0 : index
      %swap3A_231 = tpu.vector_load %arg6[%swap3A_229, %swap3A_230] {strides = array<i32>} : memref<128x32xbf16, #tpu.memory_space<vmem>>, vector<32xbf16>,
      tpu.vector_store %arg6[%swap3A_229, %swap3A_230], %broadcast_in_dim3A_1 {strides = array<i32>} : memref<128x32xbf16, #tpu.memory_space<vmem>>, vector<32xbf16>,
      %swap3A_232 = arith.constant 55 : i32
      %swap3A_233 = arith.index_cast %swap3A_232 : i32 to index
      %swap3A_234 = arith.constant 0 : index
      %swap3A_235 = tpu.vector_load %arg6[%swap3A_233, %swap3A_234] {strides = array<i32>} : memref<128x32xbf16, #tpu.memory_space<vmem>>, vector<32xbf16>,
      tpu.vector_store %arg6[%swap3A_233, %swap3A_234], %broadcast_in_dim3A_1 {strides = array<i32>} : memref<128x32xbf16, #tpu.memory_space<vmem>>, vector<32xbf16>,
      %swap3A_236 = arith.constant 56 : i32
      %swap3A_237 = arith.index_cast %swap3A_236 : i32 to index
      %swap3A_238 = arith.constant 0 : index
      %swap3A_239 = tpu.vector_load %arg6[%swap3A_237, %swap3A_238] {strides = array<i32>} : memref<128x32xbf16, #tpu.memory_space<vmem>>, vector<32xbf16>,
      tpu.vector_store %arg6[%swap3A_237, %swap3A_238], %broadcast_in_dim3A_1 {strides = array<i32>} : memref<128x32xbf16, #tpu.memory_space<vmem>>, vector<32xbf16>,
      %swap3A_240 = arith.constant 57 : i32
      %swap3A_241 = arith.index_cast %swap3A_240 : i32 to index
      %swap3A_242 = arith.constant 0 : index
      %swap3A_243 = tpu.vector_load %arg6[%swap3A_241, %swap3A_242] {strides = array<i32>} : memref<128x32xbf16, #tpu.memory_space<vmem>>, vector<32xbf16>,
      tpu.vector_store %arg6[%swap3A_241, %swap3A_242], %broadcast_in_dim3A_1 {strides = array<i32>} : memref<128x32xbf16, #tpu.memory_space<vmem>>, vector<32xbf16>,
      %swap3A_244 = arith.constant 58 : i32
      %swap3A_245 = arith.index_cast %swap3A_244 : i32 to index
      %swap3A_246 = arith.constant 0 : index
      %swap3A_247 = tpu.vector_load %arg6[%swap3A_245, %swap3A_246] {strides = array<i32>} : memref<128x32xbf16, #tpu.memory_space<vmem>>, vector<32xbf16>,
      tpu.vector_store %arg6[%swap3A_245, %swap3A_246], %broadcast_in_dim3A_1 {strides = array<i32>} : memref<128x32xbf16, #tpu.memory_space<vmem>>, vector<32xbf16>,
      %swap3A_248 = arith.constant 59 : i32
      %swap3A_249 = arith.index_cast %swap3A_248 : i32 to index
      %swap3A_250 = arith.constant 0 : index
      %swap3A_251 = tpu.vector_load %arg6[%swap3A_249, %swap3A_250] {strides = array<i32>} : memref<128x32xbf16, #tpu.memory_space<vmem>>, vector<32xbf16>,
      tpu.vector_store %arg6[%swap3A_249, %swap3A_250], %broadcast_in_dim3A_1 {strides = array<i32>} : memref<128x32xbf16, #tpu.memory_space<vmem>>, vector<32xbf16>,
      %swap3A_252 = arith.constant 60 : i32
      %swap3A_253 = arith.index_cast %swap3A_252 : i32 to index
      %swap3A_254 = arith.constant 0 : index
      %swap3A_255 = tpu.vector_load %arg6[%swap3A_253, %swap3A_254] {strides = array<i32>} : memref<128x32xbf16, #tpu.memory_space<vmem>>, vector<32xbf16>,
      tpu.vector_store %arg6[%swap3A_253, %swap3A_254], %broadcast_in_dim3A_1 {strides = array<i32>} : memref<128x32xbf16, #tpu.memory_space<vmem>>, vector<32xbf16>,
      %swap3A_256 = arith.constant 61 : i32
      %swap3A_257 = arith.index_cast %swap3A_256 : i32 to index
      %swap3A_258 = arith.constant 0 : index
      %swap3A_259 = tpu.vector_load %arg6[%swap3A_257, %swap3A_258] {strides = array<i32>} : memref<128x32xbf16, #tpu.memory_space<vmem>>, vector<32xbf16>,
      tpu.vector_store %arg6[%swap3A_257, %swap3A_258], %broadcast_in_dim3A_1 {strides = array<i32>} : memref<128x32xbf16, #tpu.memory_space<vmem>>, vector<32xbf16>,
      %swap3A_260 = arith.constant 62 : i32
      %swap3A_261 = arith.index_cast %swap3A_260 : i32 to index
      %swap3A_262 = arith.constant 0 : index
      %swap3A_263 = tpu.vector_load %arg6[%swap3A_261, %swap3A_262] {strides = array<i32>} : memref<128x32xbf16, #tpu.memory_space<vmem>>, vector<32xbf16>,
      tpu.vector_store %arg6[%swap3A_261, %swap3A_262], %broadcast_in_dim3A_1 {strides = array<i32>} : memref<128x32xbf16, #tpu.memory_space<vmem>>, vector<32xbf16>,
      %swap3A_264 = arith.constant 63 : i32
      %swap3A_265 = arith.index_cast %swap3A_264 : i32 to index
      %swap3A_266 = arith.constant 0 : index
      %swap3A_267 = tpu.vector_load %arg6[%swap3A_265, %swap3A_266] {strides = array<i32>} : memref<128x32xbf16, #tpu.memory_space<vmem>>, vector<32xbf16>,
      tpu.vector_store %arg6[%swap3A_265, %swap3A_266], %broadcast_in_dim3A_1 {strides = array<i32>} : memref<128x32xbf16, #tpu.memory_space<vmem>>, vector<32xbf16>,
      %swap3A_268 = arith.constant 64 : i32
      %swap3A_269 = arith.index_cast %swap3A_268 : i32 to index
      %swap3A_270 = arith.constant 0 : index
      %swap3A_271 = tpu.vector_load %arg6[%swap3A_269, %swap3A_270] {strides = array<i32>} : memref<128x32xbf16, #tpu.memory_space<vmem>>, vector<32xbf16>,
      tpu.vector_store %arg6[%swap3A_269, %swap3A_270], %broadcast_in_dim3A_1 {strides = array<i32>} : memref<128x32xbf16, #tpu.memory_space<vmem>>, vector<32xbf16>,
      %swap3A_272 = arith.constant 65 : i32
      %swap3A_273 = arith.index_cast %swap3A_272 : i32 to index
      %swap3A_274 = arith.constant 0 : index
      %swap3A_275 = tpu.vector_load %arg6[%swap3A_273, %swap3A_274] {strides = array<i32>} : memref<128x32xbf16, #tpu.memory_space<vmem>>, vector<32xbf16>,
      tpu.vector_store %arg6[%swap3A_273, %swap3A_274], %broadcast_in_dim3A_1 {strides = array<i32>} : memref<128x32xbf16, #tpu.memory_space<vmem>>, vector<32xbf16>,
      %swap3A_276 = arith.constant 66 : i32
      %swap3A_277 = arith.index_cast %swap3A_276 : i32 to index
      %swap3A_278 = arith.constant 0 : index
      %swap3A_279 = tpu.vector_load %arg6[%swap3A_277, %swap3A_278] {strides = array<i32>} : memref<128x32xbf16, #tpu.memory_space<vmem>>, vector<32xbf16>,
      tpu.vector_store %arg6[%swap3A_277, %swap3A_278], %broadcast_in_dim3A_1 {strides = array<i32>} : memref<128x32xbf16, #tpu.memory_space<vmem>>, vector<32xbf16>,
      %swap3A_280 = arith.constant 67 : i32
      %swap3A_281 = arith.index_cast %swap3A_280 : i32 to index
      %swap3A_282 = arith.constant 0 : index
      %swap3A_283 = tpu.vector_load %arg6[%swap3A_281, %swap3A_282] {strides = array<i32>} : memref<128x32xbf16, #tpu.memory_space<vmem>>, vector<32xbf16>,
      tpu.vector_store %arg6[%swap3A_281, %swap3A_282], %broadcast_in_dim3A_1 {strides = array<i32>} : memref<128x32xbf16, #tpu.memory_space<vmem>>, vector<32xbf16>,
      %swap3A_284 = arith.constant 68 : i32
      %swap3A_285 = arith.index_cast %swap3A_284 : i32 to index
      %swap3A_286 = arith.constant 0 : index
      %swap3A_287 = tpu.vector_load %arg6[%swap3A_285, %swap3A_286] {strides = array<i32>} : memref<128x32xbf16, #tpu.memory_space<vmem>>, vector<32xbf16>,
      tpu.vector_store %arg6[%swap3A_285, %swap3A_286], %broadcast_in_dim3A_1 {strides = array<i32>} : memref<128x32xbf16, #tpu.memory_space<vmem>>, vector<32xbf16>,
      %swap3A_288 = arith.constant 69 : i32
      %swap3A_289 = arith.index_cast %swap3A_288 : i32 to index
      %swap3A_290 = arith.constant 0 : index
      %swap3A_291 = tpu.vector_load %arg6[%swap3A_289, %swap3A_290] {strides = array<i32>} : memref<128x32xbf16, #tpu.memory_space<vmem>>, vector<32xbf16>,
      tpu.vector_store %arg6[%swap3A_289, %swap3A_290], %broadcast_in_dim3A_1 {strides = array<i32>} : memref<128x32xbf16, #tpu.memory_space<vmem>>, vector<32xbf16>,
      %swap3A_292 = arith.constant 70 : i32
      %swap3A_293 = arith.index_cast %swap3A_292 : i32 to index
      %swap3A_294 = arith.constant 0 : index
      %swap3A_295 = tpu.vector_load %arg6[%swap3A_293, %swap3A_294] {strides = array<i32>} : memref<128x32xbf16, #tpu.memory_space<vmem>>, vector<32xbf16>,
      tpu.vector_store %arg6[%swap3A_293, %swap3A_294], %broadcast_in_dim3A_1 {strides = array<i32>} : memref<128x32xbf16, #tpu.memory_space<vmem>>, vector<32xbf16>,
      %swap3A_296 = arith.constant 71 : i32
      %swap3A_297 = arith.index_cast %swap3A_296 : i32 to index
      %swap3A_298 = arith.constant 0 : index
      %swap3A_299 = tpu.vector_load %arg6[%swap3A_297, %swap3A_298] {strides = array<i32>} : memref<128x32xbf16, #tpu.memory_space<vmem>>, vector<32xbf16>,
      tpu.vector_store %arg6[%swap3A_297, %swap3A_298], %broadcast_in_dim3A_1 {strides = array<i32>} : memref<128x32xbf16, #tpu.memory_space<vmem>>, vector<32xbf16>,
      %swap3A_300 = arith.constant 72 : i32
      %swap3A_301 = arith.index_cast %swap3A_300 : i32 to index
      %swap3A_302 = arith.constant 0 : index
      %swap3A_303 = tpu.vector_load %arg6[%swap3A_301, %swap3A_302] {strides = array<i32>} : memref<128x32xbf16, #tpu.memory_space<vmem>>, vector<32xbf16>,
      tpu.vector_store %arg6[%swap3A_301, %swap3A_302], %broadcast_in_dim3A_1 {strides = array<i32>} : memref<128x32xbf16, #tpu.memory_space<vmem>>, vector<32xbf16>,
      %swap3A_304 = arith.constant 73 : i32
      %swap3A_305 = arith.index_cast %swap3A_304 : i32 to index
      %swap3A_306 = arith.constant 0 : index
      %swap3A_307 = tpu.vector_load %arg6[%swap3A_305, %swap3A_306] {strides = array<i32>} : memref<128x32xbf16, #tpu.memory_space<vmem>>, vector<32xbf16>,
      tpu.vector_store %arg6[%swap3A_305, %swap3A_306], %broadcast_in_dim3A_1 {strides = array<i32>} : memref<128x32xbf16, #tpu.memory_space<vmem>>, vector<32xbf16>,
      %swap3A_308 = arith.constant 74 : i32
      %swap3A_309 = arith.index_cast %swap3A_308 : i32 to index
      %swap3A_310 = arith.constant 0 : index
      %swap3A_311 = tpu.vector_load %arg6[%swap3A_309, %swap3A_310] {strides = array<i32>} : memref<128x32xbf16, #tpu.memory_space<vmem>>, vector<32xbf16>,
      tpu.vector_store %arg6[%swap3A_309, %swap3A_310], %broadcast_in_dim3A_1 {strides = array<i32>} : memref<128x32xbf16, #tpu.memory_space<vmem>>, vector<32xbf16>,
      %swap3A_312 = arith.constant 75 : i32
      %swap3A_313 = arith.index_cast %swap3A_312 : i32 to index
      %swap3A_314 = arith.constant 0 : index
      %swap3A_315 = tpu.vector_load %arg6[%swap3A_313, %swap3A_314] {strides = array<i32>} : memref<128x32xbf16, #tpu.memory_space<vmem>>, vector<32xbf16>,
      tpu.vector_store %arg6[%swap3A_313, %swap3A_314], %broadcast_in_dim3A_1 {strides = array<i32>} : memref<128x32xbf16, #tpu.memory_space<vmem>>, vector<32xbf16>,
      %swap3A_316 = arith.constant 76 : i32
      %swap3A_317 = arith.index_cast %swap3A_316 : i32 to index
      %swap3A_318 = arith.constant 0 : index
      %swap3A_319 = tpu.vector_load %arg6[%swap3A_317, %swap3A_318] {strides = array<i32>} : memref<128x32xbf16, #tpu.memory_space<vmem>>, vector<32xbf16>,
      tpu.vector_store %arg6[%swap3A_317, %swap3A_318], %broadcast_in_dim3A_1 {strides = array<i32>} : memref<128x32xbf16, #tpu.memory_space<vmem>>, vector<32xbf16>,
      %swap3A_320 = arith.constant 77 : i32
      %swap3A_321 = arith.index_cast %swap3A_320 : i32 to index
      %swap3A_322 = arith.constant 0 : index
      %swap3A_323 = tpu.vector_load %arg6[%swap3A_321, %swap3A_322] {strides = array<i32>} : memref<128x32xbf16, #tpu.memory_space<vmem>>, vector<32xbf16>,
      tpu.vector_store %arg6[%swap3A_321, %swap3A_322], %broadcast_in_dim3A_1 {strides = array<i32>} : memref<128x32xbf16, #tpu.memory_space<vmem>>, vector<32xbf16>,
      %swap3A_324 = arith.constant 78 : i32
      %swap3A_325 = arith.index_cast %swap3A_324 : i32 to index
      %swap3A_326 = arith.constant 0 : index
      %swap3A_327 = tpu.vector_load %arg6[%swap3A_325, %swap3A_326] {strides = array<i32>} : memref<128x32xbf16, #tpu.memory_space<vmem>>, vector<32xbf16>,
      tpu.vector_store %arg6[%swap3A_325, %swap3A_326], %broadcast_in_dim3A_1 {strides = array<i32>} : memref<128x32xbf16, #tpu.memory_space<vmem>>, vector<32xbf16>,
      %swap3A_328 = arith.constant 79 : i32
      %swap3A_329 = arith.index_cast %swap3A_328 : i32 to index
      %swap3A_330 = arith.constant 0 : index
      %swap3A_331 = tpu.vector_load %arg6[%swap3A_329, %swap3A_330] {strides = array<i32>} : memref<128x32xbf16, #tpu.memory_space<vmem>>, vector<32xbf16>,
      tpu.vector_store %arg6[%swap3A_329, %swap3A_330], %broadcast_in_dim3A_1 {strides = array<i32>} : memref<128x32xbf16, #tpu.memory_space<vmem>>, vector<32xbf16>,
      %swap3A_332 = arith.constant 80 : i32
      %swap3A_333 = arith.index_cast %swap3A_332 : i32 to index
      %swap3A_334 = arith.constant 0 : index
      %swap3A_335 = tpu.vector_load %arg6[%swap3A_333, %swap3A_334] {strides = array<i32>} : memref<128x32xbf16, #tpu.memory_space<vmem>>, vector<32xbf16>,
      tpu.vector_store %arg6[%swap3A_333, %swap3A_334], %broadcast_in_dim3A_1 {strides = array<i32>} : memref<128x32xbf16, #tpu.memory_space<vmem>>, vector<32xbf16>,
      %swap3A_336 = arith.constant 81 : i32
      %swap3A_337 = arith.index_cast %swap3A_336 : i32 to index
      %swap3A_338 = arith.constant 0 : index
      %swap3A_339 = tpu.vector_load %arg6[%swap3A_337, %swap3A_338] {strides = array<i32>} : memref<128x32xbf16, #tpu.memory_space<vmem>>, vector<32xbf16>,
      tpu.vector_store %arg6[%swap3A_337, %swap3A_338], %broadcast_in_dim3A_1 {strides = array<i32>} : memref<128x32xbf16, #tpu.memory_space<vmem>>, vector<32xbf16>,
      %swap3A_340 = arith.constant 82 : i32
      %swap3A_341 = arith.index_cast %swap3A_340 : i32 to index
      %swap3A_342 = arith.constant 0 : index
      %swap3A_343 = tpu.vector_load %arg6[%swap3A_341, %swap3A_342] {strides = array<i32>} : memref<128x32xbf16, #tpu.memory_space<vmem>>, vector<32xbf16>,
      tpu.vector_store %arg6[%swap3A_341, %swap3A_342], %broadcast_in_dim3A_1 {strides = array<i32>} : memref<128x32xbf16, #tpu.memory_space<vmem>>, vector<32xbf16>,
      %swap3A_344 = arith.constant 83 : i32
      %swap3A_345 = arith.index_cast %swap3A_344 : i32 to index
      %swap3A_346 = arith.constant 0 : index
      %swap3A_347 = tpu.vector_load %arg6[%swap3A_345, %swap3A_346] {strides = array<i32>} : memref<128x32xbf16, #tpu.memory_space<vmem>>, vector<32xbf16>,
      tpu.vector_store %arg6[%swap3A_345, %swap3A_346], %broadcast_in_dim3A_1 {strides = array<i32>} : memref<128x32xbf16, #tpu.memory_space<vmem>>, vector<32xbf16>,
      %swap3A_348 = arith.constant 84 : i32
      %swap3A_349 = arith.index_cast %swap3A_348 : i32 to index
      %swap3A_350 = arith.constant 0 : index
      %swap3A_351 = tpu.vector_load %arg6[%swap3A_349, %swap3A_350] {strides = array<i32>} : memref<128x32xbf16, #tpu.memory_space<vmem>>, vector<32xbf16>,
      tpu.vector_store %arg6[%swap3A_349, %swap3A_350], %broadcast_in_dim3A_1 {strides = array<i32>} : memref<128x32xbf16, #tpu.memory_space<vmem>>, vector<32xbf16>,
      %swap3A_352 = arith.constant 85 : i32
      %swap3A_353 = arith.index_cast %swap3A_352 : i32 to index
      %swap3A_354 = arith.constant 0 : index
      %swap3A_355 = tpu.vector_load %arg6[%swap3A_353, %swap3A_354] {strides = array<i32>} : memref<128x32xbf16, #tpu.memory_space<vmem>>, vector<32xbf16>,
      tpu.vector_store %arg6[%swap3A_353, %swap3A_354], %broadcast_in_dim3A_1 {strides = array<i32>} : memref<128x32xbf16, #tpu.memory_space<vmem>>, vector<32xbf16>,
      %swap3A_356 = arith.constant 86 : i32
      %swap3A_357 = arith.index_cast %swap3A_356 : i32 to index
      %swap3A_358 = arith.constant 0 : index
      %swap3A_359 = tpu.vector_load %arg6[%swap3A_357, %swap3A_358] {strides = array<i32>} : memref<128x32xbf16, #tpu.memory_space<vmem>>, vector<32xbf16>,
      tpu.vector_store %arg6[%swap3A_357, %swap3A_358], %broadcast_in_dim3A_1 {strides = array<i32>} : memref<128x32xbf16, #tpu.memory_space<vmem>>, vector<32xbf16>,
      %swap3A_360 = arith.constant 87 : i32
      %swap3A_361 = arith.index_cast %swap3A_360 : i32 to index
      %swap3A_362 = arith.constant 0 : index
      %swap3A_363 = tpu.vector_load %arg6[%swap3A_361, %swap3A_362] {strides = array<i32>} : memref<128x32xbf16, #tpu.memory_space<vmem>>, vector<32xbf16>,
      tpu.vector_store %arg6[%swap3A_361, %swap3A_362], %broadcast_in_dim3A_1 {strides = array<i32>} : memref<128x32xbf16, #tpu.memory_space<vmem>>, vector<32xbf16>,
      %swap3A_364 = arith.constant 88 : i32
      %swap3A_365 = arith.index_cast %swap3A_364 : i32 to index
      %swap3A_366 = arith.constant 0 : index
      %swap3A_367 = tpu.vector_load %arg6[%swap3A_365, %swap3A_366] {strides = array<i32>} : memref<128x32xbf16, #tpu.memory_space<vmem>>, vector<32xbf16>,
      tpu.vector_store %arg6[%swap3A_365, %swap3A_366], %broadcast_in_dim3A_1 {strides = array<i32>} : memref<128x32xbf16, #tpu.memory_space<vmem>>, vector<32xbf16>,
      %swap3A_368 = arith.constant 89 : i32
      %swap3A_369 = arith.index_cast %swap3A_368 : i32 to index
      %swap3A_370 = arith.constant 0 : index
      %swap3A_371 = tpu.vector_load %arg6[%swap3A_369, %swap3A_370] {strides = array<i32>} : memref<128x32xbf16, #tpu.memory_space<vmem>>, vector<32xbf16>,
      tpu.vector_store %arg6[%swap3A_369, %swap3A_370], %broadcast_in_dim3A_1 {strides = array<i32>} : memref<128x32xbf16, #tpu.memory_space<vmem>>, vector<32xbf16>,
      %swap3A_372 = arith.constant 90 : i32
      %swap3A_373 = arith.index_cast %swap3A_372 : i32 to index
      %swap3A_374 = arith.constant 0 : index
      %swap3A_375 = tpu.vector_load %arg6[%swap3A_373, %swap3A_374] {strides = array<i32>} : memref<128x32xbf16, #tpu.memory_space<vmem>>, vector<32xbf16>,
      tpu.vector_store %arg6[%swap3A_373, %swap3A_374], %broadcast_in_dim3A_1 {strides = array<i32>} : memref<128x32xbf16, #tpu.memory_space<vmem>>, vector<32xbf16>,
      %swap3A_376 = arith.constant 91 : i32
      %swap3A_377 = arith.index_cast %swap3A_376 : i32 to index
      %swap3A_378 = arith.constant 0 : index
      %swap3A_379 = tpu.vector_load %arg6[%swap3A_377, %swap3A_378] {strides = array<i32>} : memref<128x32xbf16, #tpu.memory_space<vmem>>, vector<32xbf16>,
      tpu.vector_store %arg6[%swap3A_377, %swap3A_378], %broadcast_in_dim3A_1 {strides = array<i32>} : memref<128x32xbf16, #tpu.memory_space<vmem>>, vector<32xbf16>,
      %swap3A_380 = arith.constant 92 : i32
      %swap3A_381 = arith.index_cast %swap3A_380 : i32 to index
      %swap3A_382 = arith.constant 0 : index
      %swap3A_383 = tpu.vector_load %arg6[%swap3A_381, %swap3A_382] {strides = array<i32>} : memref<128x32xbf16, #tpu.memory_space<vmem>>, vector<32xbf16>,
      tpu.vector_store %arg6[%swap3A_381, %swap3A_382], %broadcast_in_dim3A_1 {strides = array<i32>} : memref<128x32xbf16, #tpu.memory_space<vmem>>, vector<32xbf16>,
      %swap3A_384 = arith.constant 93 : i32
      %swap3A_385 = arith.index_cast %swap3A_384 : i32 to index
      %swap3A_386 = arith.constant 0 : index
      %swap3A_387 = tpu.vector_load %arg6[%swap3A_385, %swap3A_386] {strides = array<i32>} : memref<128x32xbf16, #tpu.memory_space<vmem>>, vector<32xbf16>,
      tpu.vector_store %arg6[%swap3A_385, %swap3A_386], %broadcast_in_dim3A_1 {strides = array<i32>} : memref<128x32xbf16, #tpu.memory_space<vmem>>, vector<32xbf16>,
      %swap3A_388 = arith.constant 94 : i32
      %swap3A_389 = arith.index_cast %swap3A_388 : i32 to index
      %swap3A_390 = arith.constant 0 : index
      %swap3A_391 = tpu.vector_load %arg6[%swap3A_389, %swap3A_390] {strides = array<i32>} : memref<128x32xbf16, #tpu.memory_space<vmem>>, vector<32xbf16>,
      tpu.vector_store %arg6[%swap3A_389, %swap3A_390], %broadcast_in_dim3A_1 {strides = array<i32>} : memref<128x32xbf16, #tpu.memory_space<vmem>>, vector<32xbf16>,
      %swap3A_392 = arith.constant 95 : i32
      %swap3A_393 = arith.index_cast %swap3A_392 : i32 to index
      %swap3A_394 = arith.constant 0 : index
      %swap3A_395 = tpu.vector_load %arg6[%swap3A_393, %swap3A_394] {strides = array<i32>} : memref<128x32xbf16, #tpu.memory_space<vmem>>, vector<32xbf16>,
      tpu.vector_store %arg6[%swap3A_393, %swap3A_394], %broadcast_in_dim3A_1 {strides = array<i32>} : memref<128x32xbf16, #tpu.memory_space<vmem>>, vector<32xbf16>,
      %swap3A_396 = arith.constant 96 : i32
      %swap3A_397 = arith.index_cast %swap3A_396 : i32 to index
      %swap3A_398 = arith.constant 0 : index
      %swap3A_399 = tpu.vector_load %arg6[%swap3A_397, %swap3A_398] {strides = array<i32>} : memref<128x32xbf16, #tpu.memory_space<vmem>>, vector<32xbf16>,
      tpu.vector_store %arg6[%swap3A_397, %swap3A_398], %broadcast_in_dim3A_1 {strides = array<i32>} : memref<128x32xbf16, #tpu.memory_space<vmem>>, vector<32xbf16>,
      %swap3A_400 = arith.constant 97 : i32
      %swap3A_401 = arith.index_cast %swap3A_400 : i32 to index
      %swap3A_402 = arith.constant 0 : index
      %swap3A_403 = tpu.vector_load %arg6[%swap3A_401, %swap3A_402] {strides = array<i32>} : memref<128x32xbf16, #tpu.memory_space<vmem>>, vector<32xbf16>,
      tpu.vector_store %arg6[%swap3A_401, %swap3A_402], %broadcast_in_dim3A_1 {strides = array<i32>} : memref<128x32xbf16, #tpu.memory_space<vmem>>, vector<32xbf16>,
      %swap3A_404 = arith.constant 98 : i32
      %swap3A_405 = arith.index_cast %swap3A_404 : i32 to index
      %swap3A_406 = arith.constant 0 : index
      %swap3A_407 = tpu.vector_load %arg6[%swap3A_405, %swap3A_406] {strides = array<i32>} : memref<128x32xbf16, #tpu.memory_space<vmem>>, vector<32xbf16>,
      tpu.vector_store %arg6[%swap3A_405, %swap3A_406], %broadcast_in_dim3A_1 {strides = array<i32>} : memref<128x32xbf16, #tpu.memory_space<vmem>>, vector<32xbf16>,
      %swap3A_408 = arith.constant 99 : i32
      %swap3A_409 = arith.index_cast %swap3A_408 : i32 to index
      %swap3A_410 = arith.constant 0 : index
      %swap3A_411 = tpu.vector_load %arg6[%swap3A_409, %swap3A_410] {strides = array<i32>} : memref<128x32xbf16, #tpu.memory_space<vmem>>, vector<32xbf16>,
      tpu.vector_store %arg6[%swap3A_409, %swap3A_410], %broadcast_in_dim3A_1 {strides = array<i32>} : memref<128x32xbf16, #tpu.memory_space<vmem>>, vector<32xbf16>,
      %swap3A_412 = arith.constant 100 : i32
      %swap3A_413 = arith.index_cast %swap3A_412 : i32 to index
      %swap3A_414 = arith.constant 0 : index
      %swap3A_415 = tpu.vector_load %arg6[%swap3A_413, %swap3A_414] {strides = array<i32>} : memref<128x32xbf16, #tpu.memory_space<vmem>>, vector<32xbf16>,
      tpu.vector_store %arg6[%swap3A_413, %swap3A_414], %broadcast_in_dim3A_1 {strides = array<i32>} : memref<128x32xbf16, #tpu.memory_space<vmem>>, vector<32xbf16>,
      %swap3A_416 = arith.constant 101 : i32
      %swap3A_417 = arith.index_cast %swap3A_416 : i32 to index
      %swap3A_418 = arith.constant 0 : index
      %swap3A_419 = tpu.vector_load %arg6[%swap3A_417, %swap3A_418] {strides = array<i32>} : memref<128x32xbf16, #tpu.memory_space<vmem>>, vector<32xbf16>,
      tpu.vector_store %arg6[%swap3A_417, %swap3A_418], %broadcast_in_dim3A_1 {strides = array<i32>} : memref<128x32xbf16, #tpu.memory_space<vmem>>, vector<32xbf16>,
      %swap3A_420 = arith.constant 102 : i32
      %swap3A_421 = arith.index_cast %swap3A_420 : i32 to index
      %swap3A_422 = arith.constant 0 : index
      %swap3A_423 = tpu.vector_load %arg6[%swap3A_421, %swap3A_422] {strides = array<i32>} : memref<128x32xbf16, #tpu.memory_space<vmem>>, vector<32xbf16>,
      tpu.vector_store %arg6[%swap3A_421, %swap3A_422], %broadcast_in_dim3A_1 {strides = array<i32>} : memref<128x32xbf16, #tpu.memory_space<vmem>>, vector<32xbf16>,
      %swap3A_424 = arith.constant 103 : i32
      %swap3A_425 = arith.index_cast %swap3A_424 : i32 to index
      %swap3A_426 = arith.constant 0 : index
      %swap3A_427 = tpu.vector_load %arg6[%swap3A_425, %swap3A_426] {strides = array<i32>} : memref<128x32xbf16, #tpu.memory_space<vmem>>, vector<32xbf16>,
      tpu.vector_store %arg6[%swap3A_425, %swap3A_426], %broadcast_in_dim3A_1 {strides = array<i32>} : memref<128x32xbf16, #tpu.memory_space<vmem>>, vector<32xbf16>,
      %swap3A_428 = arith.constant 104 : i32
      %swap3A_429 = arith.index_cast %swap3A_428 : i32 to index
      %swap3A_430 = arith.constant 0 : index
      %swap3A_431 = tpu.vector_load %arg6[%swap3A_429, %swap3A_430] {strides = array<i32>} : memref<128x32xbf16, #tpu.memory_space<vmem>>, vector<32xbf16>,
      tpu.vector_store %arg6[%swap3A_429, %swap3A_430], %broadcast_in_dim3A_1 {strides = array<i32>} : memref<128x32xbf16, #tpu.memory_space<vmem>>, vector<32xbf16>,
      %swap3A_432 = arith.constant 105 : i32
      %swap3A_433 = arith.index_cast %swap3A_432 : i32 to index
      %swap3A_434 = arith.constant 0 : index
      %swap3A_435 = tpu.vector_load %arg6[%swap3A_433, %swap3A_434] {strides = array<i32>} : memref<128x32xbf16, #tpu.memory_space<vmem>>, vector<32xbf16>,
      tpu.vector_store %arg6[%swap3A_433, %swap3A_434], %broadcast_in_dim3A_1 {strides = array<i32>} : memref<128x32xbf16, #tpu.memory_space<vmem>>, vector<32xbf16>,
      %swap3A_436 = arith.constant 106 : i32
      %swap3A_437 = arith.index_cast %swap3A_436 : i32 to index
      %swap3A_438 = arith.constant 0 : index
      %swap3A_439 = tpu.vector_load %arg6[%swap3A_437, %swap3A_438] {strides = array<i32>} : memref<128x32xbf16, #tpu.memory_space<vmem>>, vector<32xbf16>,
      tpu.vector_store %arg6[%swap3A_437, %swap3A_438], %broadcast_in_dim3A_1 {strides = array<i32>} : memref<128x32xbf16, #tpu.memory_space<vmem>>, vector<32xbf16>,
      %swap3A_440 = arith.constant 107 : i32
      %swap3A_441 = arith.index_cast %swap3A_440 : i32 to index
      %swap3A_442 = arith.constant 0 : index
      %swap3A_443 = tpu.vector_load %arg6[%swap3A_441, %swap3A_442] {strides = array<i32>} : memref<128x32xbf16, #tpu.memory_space<vmem>>, vector<32xbf16>,
      tpu.vector_store %arg6[%swap3A_441, %swap3A_442], %broadcast_in_dim3A_1 {strides = array<i32>} : memref<128x32xbf16, #tpu.memory_space<vmem>>, vector<32xbf16>,
      %swap3A_444 = arith.constant 108 : i32
      %swap3A_445 = arith.index_cast %swap3A_444 : i32 to index
      %swap3A_446 = arith.constant 0 : index
      %swap3A_447 = tpu.vector_load %arg6[%swap3A_445, %swap3A_446] {strides = array<i32>} : memref<128x32xbf16, #tpu.memory_space<vmem>>, vector<32xbf16>,
      tpu.vector_store %arg6[%swap3A_445, %swap3A_446], %broadcast_in_dim3A_1 {strides = array<i32>} : memref<128x32xbf16, #tpu.memory_space<vmem>>, vector<32xbf16>,
      %swap3A_448 = arith.constant 109 : i32
      %swap3A_449 = arith.index_cast %swap3A_448 : i32 to index
      %swap3A_450 = arith.constant 0 : index
      %swap3A_451 = tpu.vector_load %arg6[%swap3A_449, %swap3A_450] {strides = array<i32>} : memref<128x32xbf16, #tpu.memory_space<vmem>>, vector<32xbf16>,
      tpu.vector_store %arg6[%swap3A_449, %swap3A_450], %broadcast_in_dim3A_1 {strides = array<i32>} : memref<128x32xbf16, #tpu.memory_space<vmem>>, vector<32xbf16>,
      %swap3A_452 = arith.constant 110 : i32
      %swap3A_453 = arith.index_cast %swap3A_452 : i32 to index
      %swap3A_454 = arith.constant 0 : index
      %swap3A_455 = tpu.vector_load %arg6[%swap3A_453, %swap3A_454] {strides = array<i32>} : memref<128x32xbf16, #tpu.memory_space<vmem>>, vector<32xbf16>,
      tpu.vector_store %arg6[%swap3A_453, %swap3A_454], %broadcast_in_dim3A_1 {strides = array<i32>} : memref<128x32xbf16, #tpu.memory_space<vmem>>, vector<32xbf16>,
      %swap3A_456 = arith.constant 111 : i32
      %swap3A_457 = arith.index_cast %swap3A_456 : i32 to index
      %swap3A_458 = arith.constant 0 : index
      %swap3A_459 = tpu.vector_load %arg6[%swap3A_457, %swap3A_458] {strides = array<i32>} : memref<128x32xbf16, #tpu.memory_space<vmem>>, vector<32xbf16>,
      tpu.vector_store %arg6[%swap3A_457, %swap3A_458], %broadcast_in_dim3A_1 {strides = array<i32>} : memref<128x32xbf16, #tpu.memory_space<vmem>>, vector<32xbf16>,
      %swap3A_460 = arith.constant 112 : i32
      %swap3A_461 = arith.index_cast %swap3A_460 : i32 to index
      %swap3A_462 = arith.constant 0 : index
      %swap3A_463 = tpu.vector_load %arg6[%swap3A_461, %swap3A_462] {strides = array<i32>} : memref<128x32xbf16, #tpu.memory_space<vmem>>, vector<32xbf16>,
      tpu.vector_store %arg6[%swap3A_461, %swap3A_462], %broadcast_in_dim3A_1 {strides = array<i32>} : memref<128x32xbf16, #tpu.memory_space<vmem>>, vector<32xbf16>,
      %swap3A_464 = arith.constant 113 : i32
      %swap3A_465 = arith.index_cast %swap3A_464 : i32 to index
      %swap3A_466 = arith.constant 0 : index
      %swap3A_467 = tpu.vector_load %arg6[%swap3A_465, %swap3A_466] {strides = array<i32>} : memref<128x32xbf16, #tpu.memory_space<vmem>>, vector<32xbf16>,
      tpu.vector_store %arg6[%swap3A_465, %swap3A_466], %broadcast_in_dim3A_1 {strides = array<i32>} : memref<128x32xbf16, #tpu.memory_space<vmem>>, vector<32xbf16>,
      %swap3A_468 = arith.constant 114 : i32
      %swap3A_469 = arith.index_cast %swap3A_468 : i32 to index
      %swap3A_470 = arith.constant 0 : index
      %swap3A_471 = tpu.vector_load %arg6[%swap3A_469, %swap3A_470] {strides = array<i32>} : memref<128x32xbf16, #tpu.memory_space<vmem>>, vector<32xbf16>,
      tpu.vector_store %arg6[%swap3A_469, %swap3A_470], %broadcast_in_dim3A_1 {strides = array<i32>} : memref<128x32xbf16, #tpu.memory_space<vmem>>, vector<32xbf16>,
      %swap3A_472 = arith.constant 115 : i32
      %swap3A_473 = arith.index_cast %swap3A_472 : i32 to index
      %swap3A_474 = arith.constant 0 : index
      %swap3A_475 = tpu.vector_load %arg6[%swap3A_473, %swap3A_474] {strides = array<i32>} : memref<128x32xbf16, #tpu.memory_space<vmem>>, vector<32xbf16>,
      tpu.vector_store %arg6[%swap3A_473, %swap3A_474], %broadcast_in_dim3A_1 {strides = array<i32>} : memref<128x32xbf16, #tpu.memory_space<vmem>>, vector<32xbf16>,
      %swap3A_476 = arith.constant 116 : i32
      %swap3A_477 = arith.index_cast %swap3A_476 : i32 to index
      %swap3A_478 = arith.constant 0 : index
      %swap3A_479 = tpu.vector_load %arg6[%swap3A_477, %swap3A_478] {strides = array<i32>} : memref<128x32xbf16, #tpu.memory_space<vmem>>, vector<32xbf16>,
      tpu.vector_store %arg6[%swap3A_477, %swap3A_478], %broadcast_in_dim3A_1 {strides = array<i32>} : memref<128x32xbf16, #tpu.memory_space<vmem>>, vector<32xbf16>,
      %swap3A_480 = arith.constant 117 : i32
      %swap3A_481 = arith.index_cast %swap3A_480 : i32 to index
      %swap3A_482 = arith.constant 0 : index
      %swap3A_483 = tpu.vector_load %arg6[%swap3A_481, %swap3A_482] {strides = array<i32>} : memref<128x32xbf16, #tpu.memory_space<vmem>>, vector<32xbf16>,
      tpu.vector_store %arg6[%swap3A_481, %swap3A_482], %broadcast_in_dim3A_1 {strides = array<i32>} : memref<128x32xbf16, #tpu.memory_space<vmem>>, vector<32xbf16>,
      %swap3A_484 = arith.constant 118 : i32
      %swap3A_485 = arith.index_cast %swap3A_484 : i32 to index
      %swap3A_486 = arith.constant 0 : index
      %swap3A_487 = tpu.vector_load %arg6[%swap3A_485, %swap3A_486] {strides = array<i32>} : memref<128x32xbf16, #tpu.memory_space<vmem>>, vector<32xbf16>,
      tpu.vector_store %arg6[%swap3A_485, %swap3A_486], %broadcast_in_dim3A_1 {strides = array<i32>} : memref<128x32xbf16, #tpu.memory_space<vmem>>, vector<32xbf16>,
      %swap3A_488 = arith.constant 119 : i32
      %swap3A_489 = arith.index_cast %swap3A_488 : i32 to index
      %swap3A_490 = arith.constant 0 : index
      %swap3A_491 = tpu.vector_load %arg6[%swap3A_489, %swap3A_490] {strides = array<i32>} : memref<128x32xbf16, #tpu.memory_space<vmem>>, vector<32xbf16>,
      tpu.vector_store %arg6[%swap3A_489, %swap3A_490], %broadcast_in_dim3A_1 {strides = array<i32>} : memref<128x32xbf16, #tpu.memory_space<vmem>>, vector<32xbf16>,
      %swap3A_492 = arith.constant 120 : i32
      %swap3A_493 = arith.index_cast %swap3A_492 : i32 to index
      %swap3A_494 = arith.constant 0 : index
      %swap3A_495 = tpu.vector_load %arg6[%swap3A_493, %swap3A_494] {strides = array<i32>} : memref<128x32xbf16, #tpu.memory_space<vmem>>, vector<32xbf16>,
      tpu.vector_store %arg6[%swap3A_493, %swap3A_494], %broadcast_in_dim3A_1 {strides = array<i32>} : memref<128x32xbf16, #tpu.memory_space<vmem>>, vector<32xbf16>,
      %swap3A_496 = arith.constant 121 : i32
      %swap3A_497 = arith.index_cast %swap3A_496 : i32 to index
      %swap3A_498 = arith.constant 0 : index
      %swap3A_499 = tpu.vector_load %arg6[%swap3A_497, %swap3A_498] {strides = array<i32>} : memref<128x32xbf16, #tpu.memory_space<vmem>>, vector<32xbf16>,
      tpu.vector_store %arg6[%swap3A_497, %swap3A_498], %broadcast_in_dim3A_1 {strides = array<i32>} : memref<128x32xbf16, #tpu.memory_space<vmem>>, vector<32xbf16>,
      %swap3A_500 = arith.constant 122 : i32
      %swap3A_501 = arith.index_cast %swap3A_500 : i32 to index
      %swap3A_502 = arith.constant 0 : index
      %swap3A_503 = tpu.vector_load %arg6[%swap3A_501, %swap3A_502] {strides = array<i32>} : memref<128x32xbf16, #tpu.memory_space<vmem>>, vector<32xbf16>,
      tpu.vector_store %arg6[%swap3A_501, %swap3A_502], %broadcast_in_dim3A_1 {strides = array<i32>} : memref<128x32xbf16, #tpu.memory_space<vmem>>, vector<32xbf16>,
      %swap3A_504 = arith.constant 123 : i32
      %swap3A_505 = arith.index_cast %swap3A_504 : i32 to index
      %swap3A_506 = arith.constant 0 : index
      %swap3A_507 = tpu.vector_load %arg6[%swap3A_505, %swap3A_506] {strides = array<i32>} : memref<128x32xbf16, #tpu.memory_space<vmem>>, vector<32xbf16>,
      tpu.vector_store %arg6[%swap3A_505, %swap3A_506], %broadcast_in_dim3A_1 {strides = array<i32>} : memref<128x32xbf16, #tpu.memory_space<vmem>>, vector<32xbf16>,
      %swap3A_508 = arith.constant 124 : i32
      %swap3A_509 = arith.index_cast %swap3A_508 : i32 to index
      %swap3A_510 = arith.constant 0 : index
      %swap3A_511 = tpu.vector_load %arg6[%swap3A_509, %swap3A_510] {strides = array<i32>} : memref<128x32xbf16, #tpu.memory_space<vmem>>, vector<32xbf16>,
      tpu.vector_store %arg6[%swap3A_509, %swap3A_510], %broadcast_in_dim3A_1 {strides = array<i32>} : memref<128x32xbf16, #tpu.memory_space<vmem>>, vector<32xbf16>,
      %swap3A_512 = arith.constant 125 : i32
      %swap3A_513 = arith.index_cast %swap3A_512 : i32 to index
      %swap3A_514 = arith.constant 0 : index
      %swap3A_515 = tpu.vector_load %arg6[%swap3A_513, %swap3A_514] {strides = array<i32>} : memref<128x32xbf16, #tpu.memory_space<vmem>>, vector<32xbf16>,
      tpu.vector_store %arg6[%swap3A_513, %swap3A_514], %broadcast_in_dim3A_1 {strides = array<i32>} : memref<128x32xbf16, #tpu.memory_space<vmem>>, vector<32xbf16>,
      %swap3A_516 = arith.constant 126 : i32
      %swap3A_517 = arith.index_cast %swap3A_516 : i32 to index
      %swap3A_518 = arith.constant 0 : index
      %swap3A_519 = tpu.vector_load %arg6[%swap3A_517, %swap3A_518] {strides = array<i32>} : memref<128x32xbf16, #tpu.memory_space<vmem>>, vector<32xbf16>,
      tpu.vector_store %arg6[%swap3A_517, %swap3A_518], %broadcast_in_dim3A_1 {strides = array<i32>} : memref<128x32xbf16, #tpu.memory_space<vmem>>, vector<32xbf16>,
      %swap3A_520 = arith.constant 127 : i32
      %swap3A_521 = arith.index_cast %swap3A_520 : i32 to index
      %swap3A_522 = arith.constant 0 : index
      %swap3A_523 = tpu.vector_load %arg6[%swap3A_521, %swap3A_522] {strides = array<i32>} : memref<128x32xbf16, #tpu.memory_space<vmem>>, vector<32xbf16>,
      tpu.vector_store %arg6[%swap3A_521, %swap3A_522], %broadcast_in_dim3A_1 {strides = array<i32>} : memref<128x32xbf16, #tpu.memory_space<vmem>>, vector<32xbf16>,
      %dma_start3A = arith.constant 0 : i32
      %dma_start3A_524 = arith.constant 0 : i32
      %dma_start3A_525 = tpu.memref_slice %arg5[%dma_start3A, %dma_start3A_524] : memref<16x128xi32, #tpu.memory_space<vmem>> -> memref<1x128xi32, #tpu.memory_space<vmem>>
      %dma_start3A_526 = tpu.memref_squeeze %dma_start3A_525 : memref<1x128xi32, #tpu.memory_space<vmem>> -> memref<128xi32, #tpu.memory_space<vmem>>
      %dma_start3A_527 = arith.constant 0 : i32
      %dma_start3A_528 = arith.constant 0 : i32
      %dma_start3A_529 = tpu.memref_slice %arg2[%dma_start3A_527, %dma_start3A_528] : memref<8197x32xbf16, #tpu.memory_space<hbm>> -> memref<8197x32xbf16, #tpu.memory_space<hbm>>
      tpu.enqueue_indirect_dma source(%dma_start3A_529 : memref<8197x32xbf16, #tpu.memory_space<hbm>>) target(%arg6 : memref<128x32xbf16, #tpu.memory_space<vmem>>) offsets(%dma_start3A_526 : memref<128xi32, #tpu.memory_space<vmem>>) semaphore(%arg8 : memref<!tpu.dma_semaphore, #tpu.memory_space<semaphore_mem>>) {add = true}
      %dma_start3A_530 = arith.constant 1 : i32
      %dma_start3A_531 = arith.constant 0 : i32
      %dma_start3A_532 = tpu.memref_slice %arg5[%dma_start3A_530, %dma_start3A_531] : memref<16x128xi32, #tpu.memory_space<vmem>> -> memref<1x128xi32, #tpu.memory_space<vmem>>
      %dma_start3A_533 = tpu.memref_squeeze %dma_start3A_532 : memref<1x128xi32, #tpu.memory_space<vmem>> -> memref<128xi32, #tpu.memory_space<vmem>>
      %dma_start3A_534 = arith.constant 0 : i32
      %dma_start3A_535 = arith.constant 0 : i32
      %dma_start3A_536 = tpu.memref_slice %arg2[%dma_start3A_534, %dma_start3A_535] : memref<8197x32xbf16, #tpu.memory_space<hbm>> -> memref<8197x32xbf16, #tpu.memory_space<hbm>>
      tpu.enqueue_indirect_dma source(%dma_start3A_536 : memref<8197x32xbf16, #tpu.memory_space<hbm>>) target(%arg6 : memref<128x32xbf16, #tpu.memory_space<vmem>>) offsets(%dma_start3A_533 : memref<128xi32, #tpu.memory_space<vmem>>) semaphore(%arg8 : memref<!tpu.dma_semaphore, #tpu.memory_space<semaphore_mem>>) {add = true}
      %dma_start3A_537 = arith.constant 2 : i32
      %dma_start3A_538 = arith.constant 0 : i32
      %dma_start3A_539 = tpu.memref_slice %arg5[%dma_start3A_537, %dma_start3A_538] : memref<16x128xi32, #tpu.memory_space<vmem>> -> memref<1x128xi32, #tpu.memory_space<vmem>>
      %dma_start3A_540 = tpu.memref_squeeze %dma_start3A_539 : memref<1x128xi32, #tpu.memory_space<vmem>> -> memref<128xi32, #tpu.memory_space<vmem>>
      %dma_start3A_541 = arith.constant 0 : i32
      %dma_start3A_542 = arith.constant 0 : i32
      %dma_start3A_543 = tpu.memref_slice %arg2[%dma_start3A_541, %dma_start3A_542] : memref<8197x32xbf16, #tpu.memory_space<hbm>> -> memref<8197x32xbf16, #tpu.memory_space<hbm>>
      tpu.enqueue_indirect_dma source(%dma_start3A_543 : memref<8197x32xbf16, #tpu.memory_space<hbm>>) target(%arg6 : memref<128x32xbf16, #tpu.memory_space<vmem>>) offsets(%dma_start3A_540 : memref<128xi32, #tpu.memory_space<vmem>>) semaphore(%arg8 : memref<!tpu.dma_semaphore, #tpu.memory_space<semaphore_mem>>) {add = true}
      %dma_start3A_544 = arith.constant 3 : i32
      %dma_start3A_545 = arith.constant 0 : i32
      %dma_start3A_546 = tpu.memref_slice %arg5[%dma_start3A_544, %dma_start3A_545] : memref<16x128xi32, #tpu.memory_space<vmem>> -> memref<1x128xi32, #tpu.memory_space<vmem>>
      %dma_start3A_547 = tpu.memref_squeeze %dma_start3A_546 : memref<1x128xi32, #tpu.memory_space<vmem>> -> memref<128xi32, #tpu.memory_space<vmem>>
      %dma_start3A_548 = arith.constant 0 : i32
      %dma_start3A_549 = arith.constant 0 : i32
      %dma_start3A_550 = tpu.memref_slice %arg2[%dma_start3A_548, %dma_start3A_549] : memref<8197x32xbf16, #tpu.memory_space<hbm>> -> memref<8197x32xbf16, #tpu.memory_space<hbm>>
      tpu.enqueue_indirect_dma source(%dma_start3A_550 : memref<8197x32xbf16, #tpu.memory_space<hbm>>) target(%arg6 : memref<128x32xbf16, #tpu.memory_space<vmem>>) offsets(%dma_start3A_547 : memref<128xi32, #tpu.memory_space<vmem>>) semaphore(%arg8 : memref<!tpu.dma_semaphore, #tpu.memory_space<semaphore_mem>>) {add = true}
      %dma_start3A_551 = arith.constant 4 : i32
      %dma_start3A_552 = arith.constant 0 : i32
      %dma_start3A_553 = tpu.memref_slice %arg5[%dma_start3A_551, %dma_start3A_552] : memref<16x128xi32, #tpu.memory_space<vmem>> -> memref<1x128xi32, #tpu.memory_space<vmem>>
      %dma_start3A_554 = tpu.memref_squeeze %dma_start3A_553 : memref<1x128xi32, #tpu.memory_space<vmem>> -> memref<128xi32, #tpu.memory_space<vmem>>
      %dma_start3A_555 = arith.constant 0 : i32
      %dma_start3A_556 = arith.constant 0 : i32
      %dma_start3A_557 = tpu.memref_slice %arg2[%dma_start3A_555, %dma_start3A_556] : memref<8197x32xbf16, #tpu.memory_space<hbm>> -> memref<8197x32xbf16, #tpu.memory_space<hbm>>
      tpu.enqueue_indirect_dma source(%dma_start3A_557 : memref<8197x32xbf16, #tpu.memory_space<hbm>>) target(%arg6 : memref<128x32xbf16, #tpu.memory_space<vmem>>) offsets(%dma_start3A_554 : memref<128xi32, #tpu.memory_space<vmem>>) semaphore(%arg8 : memref<!tpu.dma_semaphore, #tpu.memory_space<semaphore_mem>>) {add = true}
      %dma_start3A_558 = arith.constant 5 : i32
      %dma_start3A_559 = arith.constant 0 : i32
      %dma_start3A_560 = tpu.memref_slice %arg5[%dma_start3A_558, %dma_start3A_559] : memref<16x128xi32, #tpu.memory_space<vmem>> -> memref<1x128xi32, #tpu.memory_space<vmem>>
      %dma_start3A_561 = tpu.memref_squeeze %dma_start3A_560 : memref<1x128xi32, #tpu.memory_space<vmem>> -> memref<128xi32, #tpu.memory_space<vmem>>
      %dma_start3A_562 = arith.constant 0 : i32
      %dma_start3A_563 = arith.constant 0 : i32
      %dma_start3A_564 = tpu.memref_slice %arg2[%dma_start3A_562, %dma_start3A_563] : memref<8197x32xbf16, #tpu.memory_space<hbm>> -> memref<8197x32xbf16, #tpu.memory_space<hbm>>
      tpu.enqueue_indirect_dma source(%dma_start3A_564 : memref<8197x32xbf16, #tpu.memory_space<hbm>>) target(%arg6 : memref<128x32xbf16, #tpu.memory_space<vmem>>) offsets(%dma_start3A_561 : memref<128xi32, #tpu.memory_space<vmem>>) semaphore(%arg8 : memref<!tpu.dma_semaphore, #tpu.memory_space<semaphore_mem>>) {add = true}
      %dma_start3A_565 = arith.constant 6 : i32
      %dma_start3A_566 = arith.constant 0 : i32
      %dma_start3A_567 = tpu.memref_slice %arg5[%dma_start3A_565, %dma_start3A_566] : memref<16x128xi32, #tpu.memory_space<vmem>> -> memref<1x128xi32, #tpu.memory_space<vmem>>
      %dma_start3A_568 = tpu.memref_squeeze %dma_start3A_567 : memref<1x128xi32, #tpu.memory_space<vmem>> -> memref<128xi32, #tpu.memory_space<vmem>>
      %dma_start3A_569 = arith.constant 0 : i32
      %dma_start3A_570 = arith.constant 0 : i32
      %dma_start3A_571 = tpu.memref_slice %arg2[%dma_start3A_569, %dma_start3A_570] : memref<8197x32xbf16, #tpu.memory_space<hbm>> -> memref<8197x32xbf16, #tpu.memory_space<hbm>>
      tpu.enqueue_indirect_dma source(%dma_start3A_571 : memref<8197x32xbf16, #tpu.memory_space<hbm>>) target(%arg6 : memref<128x32xbf16, #tpu.memory_space<vmem>>) offsets(%dma_start3A_568 : memref<128xi32, #tpu.memory_space<vmem>>) semaphore(%arg8 : memref<!tpu.dma_semaphore, #tpu.memory_space<semaphore_mem>>) {add = true}
      %dma_start3A_572 = arith.constant 7 : i32
      %dma_start3A_573 = arith.constant 0 : i32
      %dma_start3A_574 = tpu.memref_slice %arg5[%dma_start3A_572, %dma_start3A_573] : memref<16x128xi32, #tpu.memory_space<vmem>> -> memref<1x128xi32, #tpu.memory_space<vmem>>
      %dma_start3A_575 = tpu.memref_squeeze %dma_start3A_574 : memref<1x128xi32, #tpu.memory_space<vmem>> -> memref<128xi32, #tpu.memory_space<vmem>>
      %dma_start3A_576 = arith.constant 0 : i32
      %dma_start3A_577 = arith.constant 0 : i32
      %dma_start3A_578 = tpu.memref_slice %arg2[%dma_start3A_576, %dma_start3A_577] : memref<8197x32xbf16, #tpu.memory_space<hbm>> -> memref<8197x32xbf16, #tpu.memory_space<hbm>>
      tpu.enqueue_indirect_dma source(%dma_start3A_578 : memref<8197x32xbf16, #tpu.memory_space<hbm>>) target(%arg6 : memref<128x32xbf16, #tpu.memory_space<vmem>>) offsets(%dma_start3A_575 : memref<128xi32, #tpu.memory_space<vmem>>) semaphore(%arg8 : memref<!tpu.dma_semaphore, #tpu.memory_space<semaphore_mem>>) {add = true}
      %dma_start3A_579 = arith.constant 8 : i32
      %dma_start3A_580 = arith.constant 0 : i32
      %dma_start3A_581 = tpu.memref_slice %arg5[%dma_start3A_579, %dma_start3A_580] : memref<16x128xi32, #tpu.memory_space<vmem>> -> memref<1x128xi32, #tpu.memory_space<vmem>>
      %dma_start3A_582 = tpu.memref_squeeze %dma_start3A_581 : memref<1x128xi32, #tpu.memory_space<vmem>> -> memref<128xi32, #tpu.memory_space<vmem>>
      %dma_start3A_583 = arith.constant 0 : i32
      %dma_start3A_584 = arith.constant 0 : i32
      %dma_start3A_585 = tpu.memref_slice %arg2[%dma_start3A_583, %dma_start3A_584] : memref<8197x32xbf16, #tpu.memory_space<hbm>> -> memref<8197x32xbf16, #tpu.memory_space<hbm>>
      tpu.enqueue_indirect_dma source(%dma_start3A_585 : memref<8197x32xbf16, #tpu.memory_space<hbm>>) target(%arg6 : memref<128x32xbf16, #tpu.memory_space<vmem>>) offsets(%dma_start3A_582 : memref<128xi32, #tpu.memory_space<vmem>>) semaphore(%arg8 : memref<!tpu.dma_semaphore, #tpu.memory_space<semaphore_mem>>) {add = true}
      %dma_start3A_586 = arith.constant 9 : i32
      %dma_start3A_587 = arith.constant 0 : i32
      %dma_start3A_588 = tpu.memref_slice %arg5[%dma_start3A_586, %dma_start3A_587] : memref<16x128xi32, #tpu.memory_space<vmem>> -> memref<1x128xi32, #tpu.memory_space<vmem>>
      %dma_start3A_589 = tpu.memref_squeeze %dma_start3A_588 : memref<1x128xi32, #tpu.memory_space<vmem>> -> memref<128xi32, #tpu.memory_space<vmem>>
      %dma_start3A_590 = arith.constant 0 : i32
      %dma_start3A_591 = arith.constant 0 : i32
      %dma_start3A_592 = tpu.memref_slice %arg2[%dma_start3A_590, %dma_start3A_591] : memref<8197x32xbf16, #tpu.memory_space<hbm>> -> memref<8197x32xbf16, #tpu.memory_space<hbm>>
      tpu.enqueue_indirect_dma source(%dma_start3A_592 : memref<8197x32xbf16, #tpu.memory_space<hbm>>) target(%arg6 : memref<128x32xbf16, #tpu.memory_space<vmem>>) offsets(%dma_start3A_589 : memref<128xi32, #tpu.memory_space<vmem>>) semaphore(%arg8 : memref<!tpu.dma_semaphore, #tpu.memory_space<semaphore_mem>>) {add = true}
      %dma_start3A_593 = arith.constant 10 : i32
      %dma_start3A_594 = arith.constant 0 : i32
      %dma_start3A_595 = tpu.memref_slice %arg5[%dma_start3A_593, %dma_start3A_594] : memref<16x128xi32, #tpu.memory_space<vmem>> -> memref<1x128xi32, #tpu.memory_space<vmem>>
      %dma_start3A_596 = tpu.memref_squeeze %dma_start3A_595 : memref<1x128xi32, #tpu.memory_space<vmem>> -> memref<128xi32, #tpu.memory_space<vmem>>
      %dma_start3A_597 = arith.constant 0 : i32
      %dma_start3A_598 = arith.constant 0 : i32
      %dma_start3A_599 = tpu.memref_slice %arg2[%dma_start3A_597, %dma_start3A_598] : memref<8197x32xbf16, #tpu.memory_space<hbm>> -> memref<8197x32xbf16, #tpu.memory_space<hbm>>
      tpu.enqueue_indirect_dma source(%dma_start3A_599 : memref<8197x32xbf16, #tpu.memory_space<hbm>>) target(%arg6 : memref<128x32xbf16, #tpu.memory_space<vmem>>) offsets(%dma_start3A_596 : memref<128xi32, #tpu.memory_space<vmem>>) semaphore(%arg8 : memref<!tpu.dma_semaphore, #tpu.memory_space<semaphore_mem>>) {add = true}
      %dma_start3A_600 = arith.constant 11 : i32
      %dma_start3A_601 = arith.constant 0 : i32
      %dma_start3A_602 = tpu.memref_slice %arg5[%dma_start3A_600, %dma_start3A_601] : memref<16x128xi32, #tpu.memory_space<vmem>> -> memref<1x128xi32, #tpu.memory_space<vmem>>
      %dma_start3A_603 = tpu.memref_squeeze %dma_start3A_602 : memref<1x128xi32, #tpu.memory_space<vmem>> -> memref<128xi32, #tpu.memory_space<vmem>>
      %dma_start3A_604 = arith.constant 0 : i32
      %dma_start3A_605 = arith.constant 0 : i32
      %dma_start3A_606 = tpu.memref_slice %arg2[%dma_start3A_604, %dma_start3A_605] : memref<8197x32xbf16, #tpu.memory_space<hbm>> -> memref<8197x32xbf16, #tpu.memory_space<hbm>>
      tpu.enqueue_indirect_dma source(%dma_start3A_606 : memref<8197x32xbf16, #tpu.memory_space<hbm>>) target(%arg6 : memref<128x32xbf16, #tpu.memory_space<vmem>>) offsets(%dma_start3A_603 : memref<128xi32, #tpu.memory_space<vmem>>) semaphore(%arg8 : memref<!tpu.dma_semaphore, #tpu.memory_space<semaphore_mem>>) {add = true}
      %dma_start3A_607 = arith.constant 12 : i32
      %dma_start3A_608 = arith.constant 0 : i32
      %dma_start3A_609 = tpu.memref_slice %arg5[%dma_start3A_607, %dma_start3A_608] : memref<16x128xi32, #tpu.memory_space<vmem>> -> memref<1x128xi32, #tpu.memory_space<vmem>>
      %dma_start3A_610 = tpu.memref_squeeze %dma_start3A_609 : memref<1x128xi32, #tpu.memory_space<vmem>> -> memref<128xi32, #tpu.memory_space<vmem>>
      %dma_start3A_611 = arith.constant 0 : i32
      %dma_start3A_612 = arith.constant 0 : i32
      %dma_start3A_613 = tpu.memref_slice %arg2[%dma_start3A_611, %dma_start3A_612] : memref<8197x32xbf16, #tpu.memory_space<hbm>> -> memref<8197x32xbf16, #tpu.memory_space<hbm>>
      tpu.enqueue_indirect_dma source(%dma_start3A_613 : memref<8197x32xbf16, #tpu.memory_space<hbm>>) target(%arg6 : memref<128x32xbf16, #tpu.memory_space<vmem>>) offsets(%dma_start3A_610 : memref<128xi32, #tpu.memory_space<vmem>>) semaphore(%arg8 : memref<!tpu.dma_semaphore, #tpu.memory_space<semaphore_mem>>) {add = true}
      %dma_start3A_614 = arith.constant 13 : i32
      %dma_start3A_615 = arith.constant 0 : i32
      %dma_start3A_616 = tpu.memref_slice %arg5[%dma_start3A_614, %dma_start3A_615] : memref<16x128xi32, #tpu.memory_space<vmem>> -> memref<1x128xi32, #tpu.memory_space<vmem>>
      %dma_start3A_617 = tpu.memref_squeeze %dma_start3A_616 : memref<1x128xi32, #tpu.memory_space<vmem>> -> memref<128xi32, #tpu.memory_space<vmem>>
      %dma_start3A_618 = arith.constant 0 : i32
      %dma_start3A_619 = arith.constant 0 : i32
      %dma_start3A_620 = tpu.memref_slice %arg2[%dma_start3A_618, %dma_start3A_619] : memref<8197x32xbf16, #tpu.memory_space<hbm>> -> memref<8197x32xbf16, #tpu.memory_space<hbm>>
      tpu.enqueue_indirect_dma source(%dma_start3A_620 : memref<8197x32xbf16, #tpu.memory_space<hbm>>) target(%arg6 : memref<128x32xbf16, #tpu.memory_space<vmem>>) offsets(%dma_start3A_617 : memref<128xi32, #tpu.memory_space<vmem>>) semaphore(%arg8 : memref<!tpu.dma_semaphore, #tpu.memory_space<semaphore_mem>>) {add = true}
      %dma_start3A_621 = arith.constant 14 : i32
      %dma_start3A_622 = arith.constant 0 : i32
      %dma_start3A_623 = tpu.memref_slice %arg5[%dma_start3A_621, %dma_start3A_622] : memref<16x128xi32, #tpu.memory_space<vmem>> -> memref<1x128xi32, #tpu.memory_space<vmem>>
      %dma_start3A_624 = tpu.memref_squeeze %dma_start3A_623 : memref<1x128xi32, #tpu.memory_space<vmem>> -> memref<128xi32, #tpu.memory_space<vmem>>
      %dma_start3A_625 = arith.constant 0 : i32
      %dma_start3A_626 = arith.constant 0 : i32
      %dma_start3A_627 = tpu.memref_slice %arg2[%dma_start3A_625, %dma_start3A_626] : memref<8197x32xbf16, #tpu.memory_space<hbm>> -> memref<8197x32xbf16, #tpu.memory_space<hbm>>
      tpu.enqueue_indirect_dma source(%dma_start3A_627 : memref<8197x32xbf16, #tpu.memory_space<hbm>>) target(%arg6 : memref<128x32xbf16, #tpu.memory_space<vmem>>) offsets(%dma_start3A_624 : memref<128xi32, #tpu.memory_space<vmem>>) semaphore(%arg8 : memref<!tpu.dma_semaphore, #tpu.memory_space<semaphore_mem>>) {add = true}
      %dma_start3A_628 = arith.constant 15 : i32
      %dma_start3A_629 = arith.constant 0 : i32
      %dma_start3A_630 = tpu.memref_slice %arg5[%dma_start3A_628, %dma_start3A_629] : memref<16x128xi32, #tpu.memory_space<vmem>> -> memref<1x128xi32, #tpu.memory_space<vmem>>
      %dma_start3A_631 = tpu.memref_squeeze %dma_start3A_630 : memref<1x128xi32, #tpu.memory_space<vmem>> -> memref<128xi32, #tpu.memory_space<vmem>>
      %dma_start3A_632 = arith.constant 0 : i32
      %dma_start3A_633 = arith.constant 0 : i32
      %dma_start3A_634 = tpu.memref_slice %arg2[%dma_start3A_632, %dma_start3A_633] : memref<8197x32xbf16, #tpu.memory_space<hbm>> -> memref<8197x32xbf16, #tpu.memory_space<hbm>>
      tpu.enqueue_indirect_dma source(%dma_start3A_634 : memref<8197x32xbf16, #tpu.memory_space<hbm>>) target(%arg7 : memref<128x32xbf16, #tpu.memory_space<vmem>>) offsets(%dma_start3A_631 : memref<128xi32, #tpu.memory_space<vmem>>) semaphore(%arg9 : memref<!tpu.dma_semaphore, #tpu.memory_space<semaphore_mem>>)
      %dma_wait3A = arith.constant 0 : i32
      %dma_wait3A_635 = arith.constant 0 : i32
      %dma_wait3A_636 = tpu.memref_slice %arg5[%dma_wait3A, %dma_wait3A_635] : memref<16x128xi32, #tpu.memory_space<vmem>> -> memref<1x128xi32, #tpu.memory_space<vmem>>
      %dma_wait3A_637 = tpu.memref_squeeze %dma_wait3A_636 : memref<1x128xi32, #tpu.memory_space<vmem>> -> memref<128xi32, #tpu.memory_space<vmem>>
      %dma_wait3A_638 = arith.constant 0 : i32
      %dma_wait3A_639 = arith.constant 0 : i32
      %dma_wait3A_640 = tpu.memref_slice %arg2[%dma_wait3A_638, %dma_wait3A_639] : memref<8197x32xbf16, #tpu.memory_space<hbm>> -> memref<8197x32xbf16, #tpu.memory_space<hbm>>
      tpu.wait_indirect_dma semaphore(%arg8 : memref<!tpu.dma_semaphore, #tpu.memory_space<semaphore_mem>>) src(%dma_wait3A_640 : memref<8197x32xbf16, #tpu.memory_space<hbm>>) dst(%arg6 : memref<128x32xbf16, #tpu.memory_space<vmem>>)
      %dma_wait3A_641 = arith.constant 1 : i32
      %dma_wait3A_642 = arith.constant 0 : i32
      %dma_wait3A_643 = tpu.memref_slice %arg5[%dma_wait3A_641, %dma_wait3A_642] : memref<16x128xi32, #tpu.memory_space<vmem>> -> memref<1x128xi32, #tpu.memory_space<vmem>>
      %dma_wait3A_644 = tpu.memref_squeeze %dma_wait3A_643 : memref<1x128xi32, #tpu.memory_space<vmem>> -> memref<128xi32, #tpu.memory_space<vmem>>
      %dma_wait3A_645 = arith.constant 0 : i32
      %dma_wait3A_646 = arith.constant 0 : i32
      %dma_wait3A_647 = tpu.memref_slice %arg2[%dma_wait3A_645, %dma_wait3A_646] : memref<8197x32xbf16, #tpu.memory_space<hbm>> -> memref<8197x32xbf16, #tpu.memory_space<hbm>>
      tpu.wait_indirect_dma semaphore(%arg8 : memref<!tpu.dma_semaphore, #tpu.memory_space<semaphore_mem>>) src(%dma_wait3A_647 : memref<8197x32xbf16, #tpu.memory_space<hbm>>) dst(%arg6 : memref<128x32xbf16, #tpu.memory_space<vmem>>)
      %dma_wait3A_648 = arith.constant 2 : i32
      %dma_wait3A_649 = arith.constant 0 : i32
      %dma_wait3A_650 = tpu.memref_slice %arg5[%dma_wait3A_648, %dma_wait3A_649] : memref<16x128xi32, #tpu.memory_space<vmem>> -> memref<1x128xi32, #tpu.memory_space<vmem>>
      %dma_wait3A_651 = tpu.memref_squeeze %dma_wait3A_650 : memref<1x128xi32, #tpu.memory_space<vmem>> -> memref<128xi32, #tpu.memory_space<vmem>>
      %dma_wait3A_652 = arith.constant 0 : i32
      %dma_wait3A_653 = arith.constant 0 : i32
      %dma_wait3A_654 = tpu.memref_slice %arg2[%dma_wait3A_652, %dma_wait3A_653] : memref<8197x32xbf16, #tpu.memory_space<hbm>> -> memref<8197x32xbf16, #tpu.memory_space<hbm>>
      tpu.wait_indirect_dma semaphore(%arg8 : memref<!tpu.dma_semaphore, #tpu.memory_space<semaphore_mem>>) src(%dma_wait3A_654 : memref<8197x32xbf16, #tpu.memory_space<hbm>>) dst(%arg6 : memref<128x32xbf16, #tpu.memory_space<vmem>>)
      %dma_wait3A_655 = arith.constant 3 : i32
      %dma_wait3A_656 = arith.constant 0 : i32
      %dma_wait3A_657 = tpu.memref_slice %arg5[%dma_wait3A_655, %dma_wait3A_656] : memref<16x128xi32, #tpu.memory_space<vmem>> -> memref<1x128xi32, #tpu.memory_space<vmem>>
      %dma_wait3A_658 = tpu.memref_squeeze %dma_wait3A_657 : memref<1x128xi32, #tpu.memory_space<vmem>> -> memref<128xi32, #tpu.memory_space<vmem>>
      %dma_wait3A_659 = arith.constant 0 : i32
      %dma_wait3A_660 = arith.constant 0 : i32
      %dma_wait3A_661 = tpu.memref_slice %arg2[%dma_wait3A_659, %dma_wait3A_660] : memref<8197x32xbf16, #tpu.memory_space<hbm>> -> memref<8197x32xbf16, #tpu.memory_space<hbm>>
      tpu.wait_indirect_dma semaphore(%arg8 : memref<!tpu.dma_semaphore, #tpu.memory_space<semaphore_mem>>) src(%dma_wait3A_661 : memref<8197x32xbf16, #tpu.memory_space<hbm>>) dst(%arg6 : memref<128x32xbf16, #tpu.memory_space<vmem>>)
      %dma_wait3A_662 = arith.constant 4 : i32
      %dma_wait3A_663 = arith.constant 0 : i32
      %dma_wait3A_664 = tpu.memref_slice %arg5[%dma_wait3A_662, %dma_wait3A_663] : memref<16x128xi32, #tpu.memory_space<vmem>> -> memref<1x128xi32, #tpu.memory_space<vmem>>
      %dma_wait3A_665 = tpu.memref_squeeze %dma_wait3A_664 : memref<1x128xi32, #tpu.memory_space<vmem>> -> memref<128xi32, #tpu.memory_space<vmem>>
      %dma_wait3A_666 = arith.constant 0 : i32
      %dma_wait3A_667 = arith.constant 0 : i32
      %dma_wait3A_668 = tpu.memref_slice %arg2[%dma_wait3A_666, %dma_wait3A_667] : memref<8197x32xbf16, #tpu.memory_space<hbm>> -> memref<8197x32xbf16, #tpu.memory_space<hbm>>
      tpu.wait_indirect_dma semaphore(%arg8 : memref<!tpu.dma_semaphore, #tpu.memory_space<semaphore_mem>>) src(%dma_wait3A_668 : memref<8197x32xbf16, #tpu.memory_space<hbm>>) dst(%arg6 : memref<128x32xbf16, #tpu.memory_space<vmem>>)
      %dma_wait3A_669 = arith.constant 5 : i32
      %dma_wait3A_670 = arith.constant 0 : i32
      %dma_wait3A_671 = tpu.memref_slice %arg5[%dma_wait3A_669, %dma_wait3A_670] : memref<16x128xi32, #tpu.memory_space<vmem>> -> memref<1x128xi32, #tpu.memory_space<vmem>>
      %dma_wait3A_672 = tpu.memref_squeeze %dma_wait3A_671 : memref<1x128xi32, #tpu.memory_space<vmem>> -> memref<128xi32, #tpu.memory_space<vmem>>
      %dma_wait3A_673 = arith.constant 0 : i32
      %dma_wait3A_674 = arith.constant 0 : i32
      %dma_wait3A_675 = tpu.memref_slice %arg2[%dma_wait3A_673, %dma_wait3A_674] : memref<8197x32xbf16, #tpu.memory_space<hbm>> -> memref<8197x32xbf16, #tpu.memory_space<hbm>>
      tpu.wait_indirect_dma semaphore(%arg8 : memref<!tpu.dma_semaphore, #tpu.memory_space<semaphore_mem>>) src(%dma_wait3A_675 : memref<8197x32xbf16, #tpu.memory_space<hbm>>) dst(%arg6 : memref<128x32xbf16, #tpu.memory_space<vmem>>)
      %dma_wait3A_676 = arith.constant 6 : i32
      %dma_wait3A_677 = arith.constant 0 : i32
      %dma_wait3A_678 = tpu.memref_slice %arg5[%dma_wait3A_676, %dma_wait3A_677] : memref<16x128xi32, #tpu.memory_space<vmem>> -> memref<1x128xi32, #tpu.memory_space<vmem>>
      %dma_wait3A_679 = tpu.memref_squeeze %dma_wait3A_678 : memref<1x128xi32, #tpu.memory_space<vmem>> -> memref<128xi32, #tpu.memory_space<vmem>>
      %dma_wait3A_680 = arith.constant 0 : i32
      %dma_wait3A_681 = arith.constant 0 : i32
      %dma_wait3A_682 = tpu.memref_slice %arg2[%dma_wait3A_680, %dma_wait3A_681] : memref<8197x32xbf16, #tpu.memory_space<hbm>> -> memref<8197x32xbf16, #tpu.memory_space<hbm>>
      tpu.wait_indirect_dma semaphore(%arg8 : memref<!tpu.dma_semaphore, #tpu.memory_space<semaphore_mem>>) src(%dma_wait3A_682 : memref<8197x32xbf16, #tpu.memory_space<hbm>>) dst(%arg6 : memref<128x32xbf16, #tpu.memory_space<vmem>>)
      %dma_wait3A_683 = arith.constant 7 : i32
      %dma_wait3A_684 = arith.constant 0 : i32
      %dma_wait3A_685 = tpu.memref_slice %arg5[%dma_wait3A_683, %dma_wait3A_684] : memref<16x128xi32, #tpu.memory_space<vmem>> -> memref<1x128xi32, #tpu.memory_space<vmem>>
      %dma_wait3A_686 = tpu.memref_squeeze %dma_wait3A_685 : memref<1x128xi32, #tpu.memory_space<vmem>> -> memref<128xi32, #tpu.memory_space<vmem>>
      %dma_wait3A_687 = arith.constant 0 : i32
      %dma_wait3A_688 = arith.constant 0 : i32
      %dma_wait3A_689 = tpu.memref_slice %arg2[%dma_wait3A_687, %dma_wait3A_688] : memref<8197x32xbf16, #tpu.memory_space<hbm>> -> memref<8197x32xbf16, #tpu.memory_space<hbm>>
      tpu.wait_indirect_dma semaphore(%arg8 : memref<!tpu.dma_semaphore, #tpu.memory_space<semaphore_mem>>) src(%dma_wait3A_689 : memref<8197x32xbf16, #tpu.memory_space<hbm>>) dst(%arg6 : memref<128x32xbf16, #tpu.memory_space<vmem>>)
      %dma_wait3A_690 = arith.constant 8 : i32
      %dma_wait3A_691 = arith.constant 0 : i32
      %dma_wait3A_692 = tpu.memref_slice %arg5[%dma_wait3A_690, %dma_wait3A_691] : memref<16x128xi32, #tpu.memory_space<vmem>> -> memref<1x128xi32, #tpu.memory_space<vmem>>
      %dma_wait3A_693 = tpu.memref_squeeze %dma_wait3A_692 : memref<1x128xi32, #tpu.memory_space<vmem>> -> memref<128xi32, #tpu.memory_space<vmem>>
      %dma_wait3A_694 = arith.constant 0 : i32
      %dma_wait3A_695 = arith.constant 0 : i32
      %dma_wait3A_696 = tpu.memref_slice %arg2[%dma_wait3A_694, %dma_wait3A_695] : memref<8197x32xbf16, #tpu.memory_space<hbm>> -> memref<8197x32xbf16, #tpu.memory_space<hbm>>
      tpu.wait_indirect_dma semaphore(%arg8 : memref<!tpu.dma_semaphore, #tpu.memory_space<semaphore_mem>>) src(%dma_wait3A_696 : memref<8197x32xbf16, #tpu.memory_space<hbm>>) dst(%arg6 : memref<128x32xbf16, #tpu.memory_space<vmem>>)
      %dma_wait3A_697 = arith.constant 9 : i32
      %dma_wait3A_698 = arith.constant 0 : i32
      %dma_wait3A_699 = tpu.memref_slice %arg5[%dma_wait3A_697, %dma_wait3A_698] : memref<16x128xi32, #tpu.memory_space<vmem>> -> memref<1x128xi32, #tpu.memory_space<vmem>>
      %dma_wait3A_700 = tpu.memref_squeeze %dma_wait3A_699 : memref<1x128xi32, #tpu.memory_space<vmem>> -> memref<128xi32, #tpu.memory_space<vmem>>
      %dma_wait3A_701 = arith.constant 0 : i32
      %dma_wait3A_702 = arith.constant 0 : i32
      %dma_wait3A_703 = tpu.memref_slice %arg2[%dma_wait3A_701, %dma_wait3A_702] : memref<8197x32xbf16, #tpu.memory_space<hbm>> -> memref<8197x32xbf16, #tpu.memory_space<hbm>>
      tpu.wait_indirect_dma semaphore(%arg8 : memref<!tpu.dma_semaphore, #tpu.memory_space<semaphore_mem>>) src(%dma_wait3A_703 : memref<8197x32xbf16, #tpu.memory_space<hbm>>) dst(%arg6 : memref<128x32xbf16, #tpu.memory_space<vmem>>)
      %dma_wait3A_704 = arith.constant 10 : i32
      %dma_wait3A_705 = arith.constant 0 : i32
      %dma_wait3A_706 = tpu.memref_slice %arg5[%dma_wait3A_704, %dma_wait3A_705] : memref<16x128xi32, #tpu.memory_space<vmem>> -> memref<1x128xi32, #tpu.memory_space<vmem>>
      %dma_wait3A_707 = tpu.memref_squeeze %dma_wait3A_706 : memref<1x128xi32, #tpu.memory_space<vmem>> -> memref<128xi32, #tpu.memory_space<vmem>>
      %dma_wait3A_708 = arith.constant 0 : i32
      %dma_wait3A_709 = arith.constant 0 : i32
      %dma_wait3A_710 = tpu.memref_slice %arg2[%dma_wait3A_708, %dma_wait3A_709] : memref<8197x32xbf16, #tpu.memory_space<hbm>> -> memref<8197x32xbf16, #tpu.memory_space<hbm>>
      tpu.wait_indirect_dma semaphore(%arg8 : memref<!tpu.dma_semaphore, #tpu.memory_space<semaphore_mem>>) src(%dma_wait3A_710 : memref<8197x32xbf16, #tpu.memory_space<hbm>>) dst(%arg6 : memref<128x32xbf16, #tpu.memory_space<vmem>>)
      %dma_wait3A_711 = arith.constant 11 : i32
      %dma_wait3A_712 = arith.constant 0 : i32
      %dma_wait3A_713 = tpu.memref_slice %arg5[%dma_wait3A_711, %dma_wait3A_712] : memref<16x128xi32, #tpu.memory_space<vmem>> -> memref<1x128xi32, #tpu.memory_space<vmem>>
      %dma_wait3A_714 = tpu.memref_squeeze %dma_wait3A_713 : memref<1x128xi32, #tpu.memory_space<vmem>> -> memref<128xi32, #tpu.memory_space<vmem>>
      %dma_wait3A_715 = arith.constant 0 : i32
      %dma_wait3A_716 = arith.constant 0 : i32
      %dma_wait3A_717 = tpu.memref_slice %arg2[%dma_wait3A_715, %dma_wait3A_716] : memref<8197x32xbf16, #tpu.memory_space<hbm>> -> memref<8197x32xbf16, #tpu.memory_space<hbm>>
      tpu.wait_indirect_dma semaphore(%arg8 : memref<!tpu.dma_semaphore, #tpu.memory_space<semaphore_mem>>) src(%dma_wait3A_717 : memref<8197x32xbf16, #tpu.memory_space<hbm>>) dst(%arg6 : memref<128x32xbf16, #tpu.memory_space<vmem>>)
      %dma_wait3A_718 = arith.constant 12 : i32
      %dma_wait3A_719 = arith.constant 0 : i32
      %dma_wait3A_720 = tpu.memref_slice %arg5[%dma_wait3A_718, %dma_wait3A_719] : memref<16x128xi32, #tpu.memory_space<vmem>> -> memref<1x128xi32, #tpu.memory_space<vmem>>
      %dma_wait3A_721 = tpu.memref_squeeze %dma_wait3A_720 : memref<1x128xi32, #tpu.memory_space<vmem>> -> memref<128xi32, #tpu.memory_space<vmem>>
      %dma_wait3A_722 = arith.constant 0 : i32
      %dma_wait3A_723 = arith.constant 0 : i32
      %dma_wait3A_724 = tpu.memref_slice %arg2[%dma_wait3A_722, %dma_wait3A_723] : memref<8197x32xbf16, #tpu.memory_space<hbm>> -> memref<8197x32xbf16, #tpu.memory_space<hbm>>
      tpu.wait_indirect_dma semaphore(%arg8 : memref<!tpu.dma_semaphore, #tpu.memory_space<semaphore_mem>>) src(%dma_wait3A_724 : memref<8197x32xbf16, #tpu.memory_space<hbm>>) dst(%arg6 : memref<128x32xbf16, #tpu.memory_space<vmem>>)
      %dma_wait3A_725 = arith.constant 13 : i32
      %dma_wait3A_726 = arith.constant 0 : i32
      %dma_wait3A_727 = tpu.memref_slice %arg5[%dma_wait3A_725, %dma_wait3A_726] : memref<16x128xi32, #tpu.memory_space<vmem>> -> memref<1x128xi32, #tpu.memory_space<vmem>>
      %dma_wait3A_728 = tpu.memref_squeeze %dma_wait3A_727 : memref<1x128xi32, #tpu.memory_space<vmem>> -> memref<128xi32, #tpu.memory_space<vmem>>
      %dma_wait3A_729 = arith.constant 0 : i32
      %dma_wait3A_730 = arith.constant 0 : i32
      %dma_wait3A_731 = tpu.memref_slice %arg2[%dma_wait3A_729, %dma_wait3A_730] : memref<8197x32xbf16, #tpu.memory_space<hbm>> -> memref<8197x32xbf16, #tpu.memory_space<hbm>>
      tpu.wait_indirect_dma semaphore(%arg8 : memref<!tpu.dma_semaphore, #tpu.memory_space<semaphore_mem>>) src(%dma_wait3A_731 : memref<8197x32xbf16, #tpu.memory_space<hbm>>) dst(%arg6 : memref<128x32xbf16, #tpu.memory_space<vmem>>)
      %dma_wait3A_732 = arith.constant 14 : i32
      %dma_wait3A_733 = arith.constant 0 : i32
      %dma_wait3A_734 = tpu.memref_slice %arg5[%dma_wait3A_732, %dma_wait3A_733] : memref<16x128xi32, #tpu.memory_space<vmem>> -> memref<1x128xi32, #tpu.memory_space<vmem>>
      %dma_wait3A_735 = tpu.memref_squeeze %dma_wait3A_734 : memref<1x128xi32, #tpu.memory_space<vmem>> -> memref<128xi32, #tpu.memory_space<vmem>>
      %dma_wait3A_736 = arith.constant 0 : i32
      %dma_wait3A_737 = arith.constant 0 : i32
      %dma_wait3A_738 = tpu.memref_slice %arg2[%dma_wait3A_736, %dma_wait3A_737] : memref<8197x32xbf16, #tpu.memory_space<hbm>> -> memref<8197x32xbf16, #tpu.memory_space<hbm>>
      tpu.wait_indirect_dma semaphore(%arg8 : memref<!tpu.dma_semaphore, #tpu.memory_space<semaphore_mem>>) src(%dma_wait3A_738 : memref<8197x32xbf16, #tpu.memory_space<hbm>>) dst(%arg6 : memref<128x32xbf16, #tpu.memory_space<vmem>>)
      %dma_wait3A_739 = arith.constant 15 : i32
      %dma_wait3A_740 = arith.constant 0 : i32
      %dma_wait3A_741 = tpu.memref_slice %arg5[%dma_wait3A_739, %dma_wait3A_740] : memref<16x128xi32, #tpu.memory_space<vmem>> -> memref<1x128xi32, #tpu.memory_space<vmem>>
      %dma_wait3A_742 = tpu.memref_squeeze %dma_wait3A_741 : memref<1x128xi32, #tpu.memory_space<vmem>> -> memref<128xi32, #tpu.memory_space<vmem>>
      %dma_wait3A_743 = arith.constant 0 : i32
      %dma_wait3A_744 = arith.constant 0 : i32
      %dma_wait3A_745 = tpu.memref_slice %arg2[%dma_wait3A_743, %dma_wait3A_744] : memref<8197x32xbf16, #tpu.memory_space<hbm>> -> memref<8197x32xbf16, #tpu.memory_space<hbm>>
      tpu.wait_indirect_dma semaphore(%arg9 : memref<!tpu.dma_semaphore, #tpu.memory_space<semaphore_mem>>) src(%dma_wait3A_745 : memref<8197x32xbf16, #tpu.memory_space<hbm>>) dst(%arg7 : memref<128x32xbf16, #tpu.memory_space<vmem>>)
      "tpu.region"() ({
        %run_scoped3A = tpu.sem_alloc : memref<!tpu.dma_semaphore, #tpu.memory_space<semaphore_mem>>
        %dma_start3A_746 = arith.constant 0 : i32
        %dma_start3A_747 = tpu.memref_slice %arg4[%mul3A_12, %dma_start3A_746] : memref<65536x64xbf16, #tpu.memory_space<hbm>> -> memref<128x32xbf16, #tpu.memory_space<hbm>>
        %dma_start3A_748 = arith.constant 0 : i32
        %dma_start3A_749 = tpu.memref_slice %arg4[%mul3A_12, %dma_start3A_748] : memref<65536x64xbf16, #tpu.memory_space<hbm>> -> memref<128x32xbf16, #tpu.memory_space<hbm>>
        tpu.enqueue_dma source(%arg6 : memref<128x32xbf16, #tpu.memory_space<vmem>>) target(%dma_start3A_749 : memref<128x32xbf16, #tpu.memory_space<hbm>>) target_semaphore(%run_scoped3A : memref<!tpu.dma_semaphore, #tpu.memory_space<semaphore_mem>>)
        %dma_wait3A_750 = arith.constant 0 : i32
        %dma_wait3A_751 = tpu.memref_slice %arg4[%mul3A_12, %dma_wait3A_750] : memref<65536x64xbf16, #tpu.memory_space<hbm>> -> memref<128x32xbf16, #tpu.memory_space<hbm>>
        %dma_wait3A_752 = arith.constant 0 : i32
        %dma_wait3A_753 = tpu.memref_slice %arg4[%mul3A_12, %dma_wait3A_752] : memref<65536x64xbf16, #tpu.memory_space<hbm>> -> memref<128x32xbf16, #tpu.memory_space<hbm>>
        tpu.wait_dma2 semaphore(%run_scoped3A : memref<!tpu.dma_semaphore, #tpu.memory_space<semaphore_mem>>) src(%arg6 : memref<128x32xbf16, #tpu.memory_space<vmem>>) dst(%dma_wait3A_753 : memref<128x32xbf16, #tpu.memory_space<hbm>>)
        tpu.yield
      }) : () -> ()
      "tpu.region"() ({
        %run_scoped3A = tpu.sem_alloc : memref<!tpu.dma_semaphore, #tpu.memory_space<semaphore_mem>>
        %dma_start3A_746 = arith.constant 32 : i32
        %dma_start3A_747 = tpu.memref_slice %arg4[%mul3A_12, %dma_start3A_746] : memref<65536x64xbf16, #tpu.memory_space<hbm>> -> memref<128x32xbf16, #tpu.memory_space<hbm>>
        %dma_start3A_748 = arith.constant 32 : i32
        %dma_start3A_749 = tpu.memref_slice %arg4[%mul3A_12, %dma_start3A_748] : memref<65536x64xbf16, #tpu.memory_space<hbm>> -> memref<128x32xbf16, #tpu.memory_space<hbm>>
        tpu.enqueue_dma source(%arg7 : memref<128x32xbf16, #tpu.memory_space<vmem>>) target(%dma_start3A_749 : memref<128x32xbf16, #tpu.memory_space<hbm>>) target_semaphore(%run_scoped3A : memref<!tpu.dma_semaphore, #tpu.memory_space<semaphore_mem>>)
        %dma_wait3A_750 = arith.constant 32 : i32
        %dma_wait3A_751 = tpu.memref_slice %arg4[%mul3A_12, %dma_wait3A_750] : memref<65536x64xbf16, #tpu.memory_space<hbm>> -> memref<128x32xbf16, #tpu.memory_space<hbm>>
        %dma_wait3A_752 = arith.constant 32 : i32
        %dma_wait3A_753 = tpu.memref_slice %arg4[%mul3A_12, %dma_wait3A_752] : memref<65536x64xbf16, #tpu.memory_space<hbm>> -> memref<128x32xbf16, #tpu.memory_space<hbm>>
        tpu.wait_dma2 semaphore(%run_scoped3A : memref<!tpu.dma_semaphore, #tpu.memory_space<semaphore_mem>>) src(%arg7 : memref<128x32xbf16, #tpu.memory_space<vmem>>) dst(%dma_wait3A_753 : memref<128x32xbf16, #tpu.memory_space<hbm>>)
        tpu.yield
      }) : () -> ()
    }
    %scan3A_6 = arith.constant 16 : i32
    return
  }
}

module attributes {stable_mosaic.version = 14 : i64} {
  func.func @_table_body(%arg0: memref<1537x32xf32, #tpu.memory_space<vmem>>, %arg1: memref<32x160xf32, #tpu.memory_space<vmem>>, %arg2: memref<1537x160xbf16, #tpu.memory_space<vmem>>) attributes {dimension_semantics = [], scalar_prefetch = 0 : i64, scratch_operands = 0 : i64, tpu.core_type = #tpu.core_type<tc>} {
    %get3A = arith.constant 0 : index
    %get3A_0 = arith.constant 0 : index
    %get3A_1 = vector.load %arg0[%get3A, %get3A_0] : memref<1537x32xf32, #tpu.memory_space<vmem>>, vector<1537x32xf32>
    %get3A_2 = arith.constant 0 : index
    %get3A_3 = arith.constant 0 : index
    %get3A_4 = vector.load %arg1[%get3A_2, %get3A_3] : memref<32x160xf32, #tpu.memory_space<vmem>>, vector<32x160xf32>
    %dot_general3A = arith.constant dense<0.000000e+00> : vector<1537x160xf32>
    %dot_general3A_5 = tpu.matmul %get3A_1, %get3A_4, %dot_general3A {dimension_numbers = #tpu.dot_dimension_numbers<[1], [0], [0], [1], [0, 0, 1, 1], [], []>, transpose_lhs_hint = false} : vector<1537x32xf32>, vector<32x160xf32>, vector<1537x160xf32> -> vector<1537x160xf32>
    %mul3A = arith.constant 0.333333343 : f32
    %mul3A_6 = vector.broadcast %mul3A : f32 to vector<1537x160xf32>
    %mul3A_7 = arith.mulf %dot_general3A_5, %mul3A_6 : vector<1537x160xf32>
    %convert_element_type3A = arith.truncf %mul3A_7 : vector<1537x160xf32> to vector<1537x160xbf16>
    %swap3A = arith.constant 0 : index
    %swap3A_8 = arith.constant 0 : index
    %swap3A_9 = vector.load %arg2[%swap3A, %swap3A_8] : memref<1537x160xbf16, #tpu.memory_space<vmem>>, vector<1537x160xbf16>
    tpu.vector_store %arg2[%swap3A, %swap3A_8], %convert_element_type3A {strides = array<i32>} : memref<1537x160xbf16, #tpu.memory_space<vmem>>, vector<1537x160xbf16>,
    return
  }
}

module attributes {stable_mosaic.version = 14 : i64} {
  func.func @_asm_body(%arg0: i32, %arg1: memref<1x1x4096xf32, #tpu.memory_space<vmem>>, %arg2: memref<1x1x4096xi32, #tpu.memory_space<vmem>>, %arg3: memref<4096x64xbf16, #tpu.memory_space<vmem>>, %arg4: memref<32x1xf32, #tpu.memory_space<vmem>>, %arg5: memref<1x32x65x65xf32, #tpu.memory_space<vmem>>) attributes {dimension_semantics = [#tpu.dimension_semantics<arbitrary>], iteration_bounds = array<i64: 16>, scalar_prefetch = 0 : i64, scratch_operands = 0 : i64, tpu.core_type = #tpu.core_type<tc>, window_params = [{transform_indices = @transform_0, window_bounds = array<i64: 1, 1, 4096>}, {transform_indices = @transform_1, window_bounds = array<i64: 1, 1, 4096>}, {transform_indices = @transform_2, window_bounds = array<i64: 4096, 64>}, {pipeline_mode = #tpu.pipeline_mode<synchronous>, transform_indices = @transform_3, window_bounds = array<i64: 32, 1>}, {transform_indices = @transform_4, window_bounds = array<i64: 1, 32, 65, 65>}]} {
    %get3A = arith.constant 0 : index
    %get3A_0 = arith.constant 0 : index
    %get3A_1 = arith.constant 0 : index
    %get3A_2 = vector.load %arg2[%get3A, %get3A_0, %get3A_1] : memref<1x1x4096xi32, #tpu.memory_space<vmem>>, vector<1x1x4096xi32>
    %get3A_3 = vector.shape_cast %get3A_2 : vector<1x1x4096xi32> to vector<1x4096xi32>
    %eq3A = arith.constant 0 : i32
    %eq3A_4 = vector.broadcast %eq3A : i32 to vector<1x4096xi32>
    %eq3A_5 = arith.cmpi eq, %get3A_3, %eq3A_4 : vector<1x4096xi32>
    %jit3A = arith.constant 1 : i32
    %broadcast_in_dim3A = vector.broadcast %jit3A : i32 to vector<1x4096xi32>
    %select_n3A = arith.select %eq3A_5, %broadcast_in_dim3A, %get3A_3 : vector<1x4096xi1>, vector<1x4096xi32>
    %gt3A = arith.constant 1 : i32
    %gt3A_6 = vector.broadcast %gt3A : i32 to vector<1x4096xi32>
    %gt3A_7 = arith.cmpi sgt, %select_n3A, %gt3A_6 : vector<1x4096xi32>
    %sub3A = arith.constant 1 : i32
    %sub3A_8 = vector.broadcast %sub3A : i32 to vector<1x4096xi32>
    %sub3A_9 = arith.subi %select_n3A, %sub3A_8 : vector<1x4096xi32>
    %select_n3A_10 = arith.select %gt3A_7, %sub3A_9, %select_n3A : vector<1x4096xi1>, vector<1x4096xi32>
    %jit3A_11 = arith.constant 0 : i32
    %jit3A_12 = arith.constant 5 : i32
    %max3A = vector.broadcast %jit3A_11 : i32 to vector<1x4096xi32>
    %max3A_13 = arith.maxsi %max3A, %select_n3A_10 : vector<1x4096xi32>
    %min3A = vector.broadcast %jit3A_12 : i32 to vector<1x4096xi32>
    %min3A_14 = arith.minsi %min3A, %max3A_13 : vector<1x4096xi32>
    %convert_element_type3A = arith.sitofp %min3A_14 : vector<1x4096xi32> to vector<1x4096xf32>
    %div3A = arith.constant 1.000000e+00 : f32
    %div3A_15 = vector.broadcast %div3A : f32 to vector<1x4096xf32>
    %div3A_16 = arith.divf %div3A_15, %convert_element_type3A : vector<1x4096xf32>
    %get3A_17 = arith.constant 0 : index
    %get3A_18 = arith.constant 0 : index
    %get3A_19 = vector.load %arg3[%get3A_17, %get3A_18] : memref<4096x64xbf16, #tpu.memory_space<vmem>>, vector<4096x64xbf16>
    %transpose3A = tpu.transpose %get3A_19, [1, 0] : vector<4096x64xbf16> -> vector<64x4096xbf16>
    %convert_element_type3A_20 = arith.extf %transpose3A : vector<64x4096xbf16> to vector<64x4096xf32>
    %slice3A = vector.extract_strided_slice %convert_element_type3A_20 {offsets = [0, 0], sizes = [32, 4096], strides = [1, 1]} : vector<64x4096xf32> to vector<32x4096xf32>
    %mul3A = vector.broadcast %div3A_16 : vector<1x4096xf32> to vector<32x4096xf32>
    %mul3A_21 = arith.mulf %slice3A, %mul3A : vector<32x4096xf32>
    %slice3A_22 = vector.extract_strided_slice %convert_element_type3A_20 {offsets = [32, 0], sizes = [32, 4096], strides = [1, 1]} : vector<64x4096xf32> to vector<32x4096xf32>
    %add3A = arith.addf %mul3A_21, %slice3A_22 : vector<32x4096xf32>
    %get3A_23 = arith.constant 0 : index
    %get3A_24 = arith.constant 0 : index
    %get3A_25 = arith.constant 0 : index
    %get3A_26 = vector.load %arg1[%get3A_23, %get3A_24, %get3A_25] : memref<1x1x4096xf32, #tpu.memory_space<vmem>>, vector<1x1x4096xf32>
    %get3A_27 = vector.shape_cast %get3A_26 : vector<1x1x4096xf32> to vector<1x4096xf32>
    %mul3A_28 = arith.constant 2.000000e+00 : f32
    %mul3A_29 = vector.broadcast %mul3A_28 : f32 to vector<1x4096xf32>
    %mul3A_30 = arith.mulf %mul3A_29, %get3A_27 : vector<1x4096xf32>
    %add3A_31 = vector.broadcast %mul3A_30 : vector<1x4096xf32> to vector<32x4096xf32>
    %add3A_32 = arith.addf %add3A, %add3A_31 : vector<32x4096xf32>
    %reshape3A = vector.shape_cast %add3A_32 : vector<32x4096xf32> to vector<32x64x64xf32>
    %jit3A_33 = arith.constant 0 : i32
    %convert_element_type3A_34 = arith.sitofp %jit3A_33 : i32 to f32
    %pad3A = vector.broadcast %convert_element_type3A_34 : f32 to vector<32x1x64xf32>
    %pad3A_35 = tpu.concatenate %pad3A, %reshape3A in 1 : vector<32x1x64xf32>, vector<32x64x64xf32> -> vector<32x65x64xf32>
    %pad3A_36 = vector.broadcast %convert_element_type3A_34 : f32 to vector<32x65x1xf32>
    %pad3A_37 = tpu.concatenate %pad3A_36, %pad3A_35 in 2 : vector<32x65x1xf32>, vector<32x65x64xf32> -> vector<32x65x65xf32>
    %iota3A = tpu.iota {dimensions = array<i32: 0>} : vector<65x65xi32>
    %iota3A_38 = tpu.iota {dimensions = array<i32: 1>} : vector<65x65xi32>
    %eq3A_39 = arith.constant 0 : i32
    %eq3A_40 = vector.broadcast %eq3A_39 : i32 to vector<65x65xi32>
    %eq3A_41 = arith.cmpi eq, %iota3A, %eq3A_40 : vector<65x65xi32>
    %eq3A_42 = arith.constant 0 : i32
    %eq3A_43 = vector.broadcast %eq3A_42 : i32 to vector<65x65xi32>
    %eq3A_44 = arith.cmpi eq, %iota3A_38, %eq3A_43 : vector<65x65xi32>
    %xor3A = arith.xori %eq3A_41, %eq3A_44 : vector<65x65xi1>
    %get3A_45 = arith.constant 0 : index
    %get3A_46 = arith.constant 0 : index
    %get3A_47 = vector.load %arg4[%get3A_45, %get3A_46] : memref<32x1xf32, #tpu.memory_space<vmem>>, vector<32x1xf32>
    %broadcast_in_dim3A_48 = vector.shape_cast %xor3A : vector<65x65xi1> to vector<1x65x65xi1>
    %broadcast_in_dim3A_49 = vector.shape_cast %get3A_47 : vector<32x1xf32> to vector<32x1x1xf32>
    %jit3A_50 = arith.constant 0.000000e+00 : f32
    %broadcast_in_dim3A_51 = vector.shape_cast %broadcast_in_dim3A_48 : vector<1x65x65xi1> to vector<1x65x65xi1>
    %broadcast_in_dim3A_52 = vector.broadcast %broadcast_in_dim3A_51 : vector<1x65x65xi1> to vector<32x65x65xi1>
    %broadcast_in_dim3A_53 = vector.shape_cast %broadcast_in_dim3A_49 : vector<32x1x1xf32> to vector<32x1x1xf32>
    %broadcast_in_dim3A_54 = vector.broadcast %broadcast_in_dim3A_53 : vector<32x1x1xf32> to vector<32x65x65xf32>
    %broadcast_in_dim3A_55 = vector.broadcast %jit3A_50 : f32 to vector<32x65x65xf32>
    %select_n3A_56 = arith.select %broadcast_in_dim3A_52, %broadcast_in_dim3A_54, %broadcast_in_dim3A_55 : vector<32x65x65xi1>, vector<32x65x65xf32>
    %add3A_57 = arith.addf %pad3A_37, %select_n3A_56 : vector<32x65x65xf32>
    %swap3A = arith.constant 0 : index
    %swap3A_58 = arith.constant 0 : index
    %swap3A_59 = arith.constant 0 : index
    %swap3A_60 = arith.constant 0 : index
    %swap3A_61 = vector.load %arg5[%swap3A, %swap3A_58, %swap3A_59, %swap3A_60] : memref<1x32x65x65xf32, #tpu.memory_space<vmem>>, vector<1x32x65x65xf32>
    %swap3A_62 = vector.shape_cast %swap3A_61 : vector<1x32x65x65xf32> to vector<32x65x65xf32>
    %swap3A_63 = vector.shape_cast %add3A_57 : vector<32x65x65xf32> to vector<1x32x65x65xf32>
    tpu.vector_store %arg5[%swap3A, %swap3A_58, %swap3A_59, %swap3A_60], %swap3A_63 {strides = array<i32>} : memref<1x32x65x65xf32, #tpu.memory_space<vmem>>, vector<1x32x65x65xf32>,
    return
  }
  func.func @transform_0(%arg0: i32) -> (i32, i32, i32) {
    %c0_i32 = arith.constant 0 : i32
    %c0_i32_0 = arith.constant 0 : i32
    %c0_i32_1 = arith.constant 0 : i32
    return %arg0, %c0_i32, %c0_i32_0 : i32, i32, i32
  }
  func.func @transform_1(%arg0: i32) -> (i32, i32, i32) {
    %c0_i32 = arith.constant 0 : i32
    %c0_i32_0 = arith.constant 0 : i32
    %c0_i32_1 = arith.constant 0 : i32
    return %arg0, %c0_i32, %c0_i32_0 : i32, i32, i32
  }
  func.func @transform_2(%arg0: i32) -> (i32, i32) {
    %c0_i32 = arith.constant 0 : i32
    %c0_i32_0 = arith.constant 0 : i32
    return %arg0, %c0_i32 : i32, i32
  }
  func.func @transform_3(%arg0: i32) -> (i32, i32) {
    %c0_i32 = arith.constant 0 : i32
    %c0_i32_0 = arith.constant 0 : i32
    %c0_i32_1 = arith.constant 0 : i32
    return %c0_i32, %c0_i32_0 : i32, i32
  }
  func.func @transform_4(%arg0: i32) -> (i32, i32, i32, i32) {
    %c0_i32 = arith.constant 0 : i32
    %c0_i32_0 = arith.constant 0 : i32
    %c0_i32_1 = arith.constant 0 : i32
    %c0_i32_2 = arith.constant 0 : i32
    return %arg0, %c0_i32, %c0_i32_0, %c0_i32_1 : i32, i32, i32, i32
  }
}

</mosaic_0001>

<sc_bundles>
// kernel: kernel.5.cloned.1.call-start
scs
__scs_entry_jumppad:
0x0: {  	(pc) =	sbr.rel $0x88, $3  }
0x1: {  	(tag) =	ssettag $0x0;
	lr =	simm.s32 $0x1  }
0x2: {  	[smem:$0x3F9A] =	sst lr;
	_ =	strace $0xD0000000  }
0x3: {  	_ = 	snop  }
0x4: {  	_ = 	snop  }
0x5: {  	_ = 	snop  }
0x6: {  	_ = 	snop  }
0x7: {  	_ = 	snop  }
__scs_overlays_trampoline_lowered:
0x8: {  	[smem:$0x3FA9] =	sst s0  }
0x9: {  	[smem:$0x3FAA] =	sst s1  }
0xa: {  	[smem:$0x3FAB] =	sst s2  }
0xb: {  	[smem:$0x3FAC] =	sst s3  }
0xc: {  	[smem:$0x3FAD] =	sst s4  }
0xd: {  	[smem:$0x3FAE] =	sst s5  }
0xe: {  	[smem:$0x3FAF] =	sst s6  }
0xf: {  	[smem:$0x3FB0] =	sst s7  }
0x10: {  	[smem:$0x3FB1] =	sst s8  }
0x11: {  	[smem:$0x3FB2] =	sst s9;
	s0 =	simm.s32 @!p0 $0x0  }
0x12: {  	s1 =	sld [smem:$0x3F98];
	s0 =	simm.s32 @p0 $0x1  }
0x13: {  	[smem:$0x3FB3] =	sst s0;
	s0 =	simm.s32 @!p1 $0x0  }
0x14: {  	s2 =	sld [smem:$0x3F97];
	s0 =	simm.s32 @p1 $0x1  }
0x15: {  	[smem:$0x3FB4] =	sst s0;
	s0 =	simm.s32 @!p2 $0x0  }
0x16: {  	s3 =	sld [smem:$0x3FDB];
	s0 =	simm.s32 @p2 $0x1  }
0x17: {  	s4 =	simm.s32 $0x1BF5;
	[smem:$0x3FB6] =	sst s0  }
0x18: {  	s0 =	sld [smem:$0x3F99];
	_ =	swait.ge [sflag:s4], $0x0  }
0x19: {  	s7 =	sld [smem:$0x3F9A]  }
0x1a: {  	s8 =	sadd.s32 $0xFFFFE003, lr  }
0x1b: {  	s9 =	sadd.s32 $0xFFFFFEF7, lr;
	s5 =	simm.s32 $0xFFFFFFFF;
	p2 =	slt.u32 s8, $0xFFFFF086  }
0x1c: {  	p1 =	slt.u32 s9, $0xF7A;
	s5 =	simm.s32 @!p2 $0x0  }
0x1d: {  	s5 =	simm.s32 @p1 $0x1;
	p0 =	seq.s32 s7, s2  }
0x1e: {  	s7 =	smul.u32 @!p0 $0xF7A, s2;
	p2 =	seq.s32 @!p0 s5, $0x0  }
0x1f: {  	s9 =	smul.u32 $0xF7A, s1;
	s8 =	simm.s32 @!p0 $0x1BF5;
	p2 =	por !p2, p0  }
0x20: {  	[sflag:s8] =	ssyncset.s32 @!p0 $0xFFFFF086;
	s6 =	sadd.s32 @!p0 s3, s7;
	s7 =	simm.s32 @!p0 $0x108  }
0x21: {  	s3 =	sadd.s32 s3, s9;
	s6 =	sadd.s32 @!p0 $0x88, s6;
	s7 =	simm.s32 @p2 $0x1082  }
0x22: {  	[simem:s7], [sflag:s8] =	dma.local @!p0 [hbm:s6], $0xF7A  }
0x23: {  	s9 =	sor.u32 $0xD0000000, s2;
	s6 =	simm.s32 $0x108;
	_ =	swait.ge @!p0 [sflag:s8], $0x0  }
0x24: {  	s3 =	sadd.s32 $0x88, s3;
	s6 =	simm.s32 @!p1 $0x1082;
	[sflag:s4] =	ssyncset.s32 $0xFFFFF086  }
0x25: {  	[simem:s6], [sflag:s4] =	dma.local [hbm:s3], $0xF7A  }
0x26: {  	[smem:$0x3F9A] =	sst s1;
	(tag) =	ssettag s2;
	_ =	strace s9  }
0x27: {  	s1 =	sld [smem:$0x3FAA]  }
0x28: {  	s2 =	sld [smem:$0x3FAB]  }
0x29: {  	s4 =	sld [smem:$0x3FAD]  }
0x2a: {  	p0 =	seq.s32 s5, $0x0;
	s5 =	sld [smem:$0x3FAE]  }
0x2b: {  	s6 =	sld [smem:$0x3FAF]  }
0x2c: {  	s7 =	sld [smem:$0x3FB0]  }
0x2d: {  	s3 =	simm.s32 $0x108;
	s8 =	sld [smem:$0x3FB1]  }
0x2e: {  	s3 =	simm.s32 @!p0 $0x1082;
	s9 =	sld [smem:$0x3FB2]  }
0x2f: {  	lr =	sadd.s32 s0, s3;
	s0 =	sld [smem:$0x3FA9]  }
0x30: {  	s3 =	sld [smem:$0x3FAC]  }
0x31: {  	[smem:$0x3FB5] =	sst s10  }
0x32: {  	s10 =	sld [smem:$0x3FB3];
	_ =	sdelay $0x3  }
0x33: {  	p0 =	seq.s32 s10, $0x1;
	s10 =	sld [smem:$0x3FB5];
	_ =	sdelay $0x3  }
0x34: {  	[smem:$0x3FB5] =	sst s10  }
0x35: {  	s10 =	sld [smem:$0x3FB4];
	_ =	sdelay $0x3  }
0x36: {  	p1 =	seq.s32 s10, $0x1;
	s10 =	sld [smem:$0x3FB5];
	_ =	sdelay $0x3  }
0x37: {  	[smem:$0x3FB5] =	sst s10  }
0x38: {  	s10 =	sld [smem:$0x3FB6]  }
0x39: {  	_ = 	snop;
	(pc) =	sbr.ind lr, $3  }
0x3a: {  	_ = 	snop  }
0x3b: {  	_ = 	snop  }
0x3c: {  	p2 =	seq.s32 s10, $0x1;
	s10 =	sld [smem:$0x3FB5]  }
0x3d: {  	_ =	shalt  }
0x3e: {  	_ =	shalt  }
0x3f: {  	_ =	shalt  }
0x40: {  	_ =	shalt  }
0x41: {  	_ =	shalt  }
0x42: {  	_ =	shalt  }
0x43: {  	_ =	shalt  }
0x44: {  	_ =	shalt  }
0x45: {  	_ =	shalt  }
0x46: {  	_ =	shalt  }
0x47: {  	_ =	shalt  }
0x48: {  	_ =	shalt  }
0x49: {  	_ =	shalt  }
0x4a: {  	_ =	shalt  }
0x4b: {  	_ =	shalt  }
0x4c: {  	_ =	shalt  }
0x4d: {  	_ =	shalt  }
0x4e: {  	_ =	shalt  }
0x4f: {  	_ =	shalt  }
0x50: {  	_ =	shalt  }
0x51: {  	_ =	shalt  }
0x52: {  	_ =	shalt  }
0x53: {  	_ =	shalt  }
0x54: {  	_ =	shalt  }
0x55: {  	_ =	shalt  }
0x56: {  	_ =	shalt  }
0x57: {  	_ =	shalt  }
0x58: {  	_ =	shalt  }
0x59: {  	_ =	shalt  }
0x5a: {  	_ =	shalt  }
0x5b: {  	_ =	shalt  }
0x5c: {  	_ =	shalt  }
0x5d: {  	_ =	shalt  }
0x5e: {  	_ =	shalt  }
0x5f: {  	_ =	shalt  }
0x60: {  	_ =	shalt  }
0x61: {  	_ =	shalt  }
0x62: {  	_ =	shalt  }
0x63: {  	_ =	shalt  }
0x64: {  	_ =	shalt  }
0x65: {  	_ =	shalt  }
0x66: {  	_ =	shalt  }
0x67: {  	_ =	shalt  }
0x68: {  	_ =	shalt  }
0x69: {  	_ =	shalt  }
0x6a: {  	_ =	shalt  }
0x6b: {  	_ =	shalt  }
0x6c: {  	_ =	shalt  }
0x6d: {  	_ =	shalt  }
0x6e: {  	_ =	shalt  }
0x6f: {  	_ =	shalt  }
0x70: {  	_ =	shalt  }
0x71: {  	_ =	shalt  }
0x72: {  	_ =	shalt  }
0x73: {  	_ =	shalt  }
0x74: {  	_ =	shalt  }
0x75: {  	_ =	shalt  }
0x76: {  	_ =	shalt  }
0x77: {  	_ =	shalt  }
0x78: {  	_ =	shalt  }
0x79: {  	_ =	shalt  }
0x7a: {  	_ =	shalt  }
0x7b: {  	_ =	shalt  }
0x7c: {  	_ =	shalt  }
0x7d: {  	_ =	shalt  }
0x7e: {  	_ =	shalt  }
0x7f: {  	_ =	shalt  }
0x80: {  	_ =	shalt  }
0x81: {  	_ =	shalt  }
0x82: {  	_ =	shalt  }
0x83: {  	_ =	shalt  }
0x84: {  	_ =	shalt  }
0x85: {  	_ =	shalt  }
0x86: {  	_ =	shalt  }
0x87: {  	_ =	shalt  }
.Lfunc_end0:
.L_simem_size_0:
called_computation_lowered:
.L_overlay_start_0:
0x88: {  	s2 =	sld [smem:$0x3FD9]  }
0x89: {  	s3 =	sld [smem:$0x3FFE];
	_ =	sdelay $0x1  }
0x8a: {  	s1 =	srdreg.scid  }
0x8b: {  	s0 =	sand.u32 $0x1, s1  }
0x8c: {  	s17 =	sshll.u32 s0, $0xA;
	s2 =	sadd.s32 s3, s2  }
0x8d: {  	s2 =	sadd.s32 s2, s17  }
0x8e: {  	[smem:$0x3FC1] =	sst s2  }
0x8f: {  	_ = 	snop  }
0x90: {  	s2 =	sld [smem:$0x3FD0];
	(tm) =	ssettm $0x1  }
0x91: {  	s18 =	sld [smem:$0x3FFB];
	_ =	sdelay $0x3  }
0x92: {  	_ =	strace s18  }
0x93: {  	s3 =	sld [smem:$0x3FFC];
	_ =	sdelay $0x3  }
0x94: {  	_ =	strace s3  }
0x95: {  	s3 =	sld [smem:$0x3FFD];
	_ =	sdelay $0x3  }
0x96: {  	_ =	strace s3  }
0x97: {  	_ =	strace $0x8FFFFFFF  }
0x98: {  	s19 =	sld [smem:$0x3FDB];
	_ =	sdelay $0x1  }
0x99: {  	s4 =	simm.s32 $_scs_section_size  }
0x9a: {  	s5 =	simm.s32 $_size__tile_overlayer_lowered;
	s6 =	simm.s32 $_tile_overlayer_lowered  }
0x9b: {  	s22 =	simm.s32 $0x1BFF;
	s21 =	sshll.u32 s6, $0x1;
	s3 =	sadd.s32 s4, s19  }
0x9c: {  	s7 =	simm.s32 $0x0;
	s20 =	sshll.u32 s5, $0x1;
	s5 =	sadd.s32 s21, s3  }
0x9d: {  	[timem:s7], [sflag:s22] =	dma.local [hbm:s5], s20  }
0x9e: {  	_ =	swait.ge [sflag:s22], s20  }
0x9f: {  	s4 =	ssub.s32 $0x0, s20;
	[sflag:s22] =	ssyncset.done $0x0  }
0xa0: {  	[sflag:s22] =	ssyncadd.s32 s4;
	_ =	sdelay $0x1  }
0xa1: {  	s23 =	simm.s32 $0x1B8B  }
0xa2: {  	_ =	swait.ge [sflag:s23], $0x1  }
0xa3: {  	[sflag:s23] =	ssyncset.done $0x0  }
0xa4: {  	s25 =	simm.s32 $0x1B8E;
	s24 =	sld [smem:$0x3FFE];
	[sflag:s23] =	ssyncadd.s32 $0xFFFFFFFF  }
0xa5: {  	s26 =	simm.s32 $execute0_lowered;
	[smem:$0x3FD2] =	sst s25  }
0xa6: {  	s5 =	sshll.u32 s26, $0x1;
	_ =	strace $0x80000046;
	[dreg:$0x1] =	wrdreg $0xFFFFFFFF  }
0xa7: {  	s28 =	simm.s32 $_size_execute0_lowered;
	s3 =	sadd.s32 s3, s5;
	[dreg:$0x0] =	wrdreg $0x0  }
0xa8: {  	s5 =	sshll.u32 s28, $0x1;
	[dreg:$0x2] =	wrdreg s3  }
0xa9: {  	[dreg:$0x3] =	wrdreg s5  }
0xaa: {  	[dreg:$0x4] =	wrdreg $0xC0  }
0xab: {  	_ =	task [dreg:s7], $0x5FFFF  }
0xac: {  	[dreg:$0x1] =	wrdreg $0xFFFFFFFF  }
0xad: {  	[dreg:$0x0] =	wrdreg $0x60  }
0xae: {  	[dreg:$0x2] =	wrdreg s24  }
0xaf: {  	[dreg:$0x3] =	wrdreg s2  }
0xb0: {  	[dreg:$0x4] =	wrdreg $0x9  }
0xb1: {  	_ =	task.clear_ibuf [dreg:s7], $0x5FFFF;
	_ =	strace $0x90000046  }
0xb2: {  	s29 =	simm.s32 $0x9;
	_ =	strace $0x80000048  }
0xb3: {  	_ =	swait.ge [sflag:s29], $0x1  }
0xb4: {  	[sflag:s29] =	ssyncadd.s32 $0xFFFFFFFF  }
0xb5: {  	_ =	strace $0x90000048  }
0xb6: {  	_ =	sfence  }
0xb7: {  	s30 =	sld [smem:$0x0];
	_ =	sdelay $0x2  }
0xb8: {  	s31 =	sshll.u32 s1, $0xD;
	s1 =	sshrl.u32 s1, $0x2  }
0xb9: {  	s3 =	sand.u32 $0x4000, s31;
	s1 =	sadd.s32 s1, s30  }
0xba: {  	s0 =	sor.u32 s3, s0;
	s1 =	sshll.u32 s1, $0x11  }
0xbb: {  	s0 =	sor.u32 s1, s0  }
0xbc: {  	s0 =	sadd.s32 $0x8F2B, s0  }
0xbd: {  	[sflag:s0] =	ssyncadd.remote.s32 $0x1  }
0xbe: {  	_ =	sfence.sel $0xFFFF  }
0xbf: {  	[dreg:$0x0] =	wrdreg $0xFFFFFFFF;
	(pc) =	sbr.abs _section_cstart, $3  }
0xc0: {  	[dreg:$0x1] =	wrdreg $0xFFFFFFFF  }
0xc1: {  	_ =	task.clear_ibuf [dreg:s7], $0x2FFFF;
	_ =	strace $0x9FFFFFFF  }
0xc2: {  	(tm) =	ssettm $0x7FFFFFFF  }
0xc3: {  	_ =	shalt  }
tec
execute0_lowered:
.L_overlay_start_1:
0x0: {  	(tag) =	ssettag $0x1  }
0x1: {  	s0 =	rddreg [dreg:$0x0]  }
0x2: {  	s4 =	rddreg [dreg:$0x1];
	s2 =	simm.s32 $0x0  }
0x3: {  	s1 =	stileid.u32;
	s3 =	srdreg.scid;
	s10 =	simm.s32 $0x100  }
0x4: {  	s11 =	simm.s32 $0x180;
	s12 =	simm.s32 $0x200;
	s13 =	simm.s32 $0x280  }
0x5: {  	s14 =	simm.s32 $0x300;
	s15 =	simm.s32 $0x380;
	s16 =	simm.s32 $0x400  }
0x6: {  	s17 =	simm.s32 $0x480;
	s18 =	simm.s32 $0x500;
	s19 =	simm.s32 $0x580  }
0x7: {  	s20 =	simm.s32 $0x600;
	s21 =	simm.s32 $0x680;
	s22 =	simm.s32 $0x700  }
0x8: {  	s23 =	simm.s32 $0x780;
	s24 =	simm.s32 $0x1000;
	s25 =	simm.s32 $0x1  }
0x9: {  	s26 =	simm.s32 $0x2;
	s28 =	simm.s32 $0x10;
	s29 =	simm.s32 $0x20  }
0xa: {  	s30 =	simm.s32 $0x0;
	[smem:$0x7FF] =	sst s2;
	s5 =	sshll.u32 s1, $0x9  }
0xb: {  	s6 =	sand.u32 $0x1, s3;
	s3 =	sadd.s32 $0xE00, s0;
	s9 =	sshll.u32 s1, $0xE  }
0xc: {  	_ =	strace $0x80000047;
	s0 =	sadd.s32 s5, s0;
	s31 =	ssub.s32 $0x2, s6  }
0xd: {  	s8 =	sshll.u32 s6, $0x8;
	s4 =	sadd.s32 s9, s4;
	s6 =	sshll.u32 s6, $0xD  }
0xe: {  	s9 =	simm.s32 $0x800;
	s7 =	sshrl.u32 s31, $0x1;
	s0 =	sadd.s32 s8, s0  }
0xf: {  	s6 =	sadd.s32 s6, s4;
	s8 =	simm.s32 $0x3;
	s5 =	ssub.s32 s31, s7  }
0x10: {  	s0 =	sadd.s32 $0x5000, s0;
	s7 =	simm.s32 $0x10000;
	s4 =	smax.u32 s5, $0x1  }
0x11: {  	v0 =	vimm.bf16 $0.0e+00;
	[dreg:$0x3] =	wrdreg s0;
	s5 =	sadd.s32 $0x2, s6;
	s6 =	simm.s32 $0x80  }
.LBB2_1:
0x12: {  	s31 =	smov.u32 s5;
	s0 =	simm.s32 $0x0  }
.LBB2_2:
0x13: {  	s1 =	rddreg [dreg:$0x3]  }
0x14: {  	s1 =	sadd.s32 s0, s1  }
0x15: {  	[tilespmem:s2], [sflag:$0x3] =	stream.strided.gather [hbm4b:s1+s6], $0x800, s7, s6, $0x38;
	[tilespmem:$0x1800] =	vst v63  }
0x16: {  	_ =	swait.ge [sflag:s8], $0x800  }
0x17: {  	[sflag:s8] =	ssyncset.done $0x0  }
0x18: {  	[sflag:s8] =	ssyncadd.s32 $0xFFFFF800  }
0x19: {  	[tilespmem:$0x800] =	vst v0  }
0x1a: {  	[tilespmem:$0x810] =	vst v0  }
0x1b: {  	[tilespmem:$0x820] =	vst v0  }
0x1c: {  	[tilespmem:$0x830] =	vst v0  }
0x1d: {  	[tilespmem:$0x840] =	vst v0  }
0x1e: {  	[tilespmem:$0x850] =	vst v0  }
0x1f: {  	[tilespmem:$0x860] =	vst v0  }
0x20: {  	[tilespmem:$0x870] =	vst v0  }
0x21: {  	[tilespmem:$0x880] =	vst v0  }
0x22: {  	[tilespmem:$0x890] =	vst v0  }
0x23: {  	[tilespmem:$0x8A0] =	vst v0  }
0x24: {  	[tilespmem:$0x8B0] =	vst v0  }
0x25: {  	[tilespmem:$0x8C0] =	vst v0  }
0x26: {  	[tilespmem:$0x8D0] =	vst v0  }
0x27: {  	[tilespmem:$0x8E0] =	vst v0  }
0x28: {  	[tilespmem:$0x8F0] =	vst v0  }
0x29: {  	[tilespmem:$0x900] =	vst v0  }
0x2a: {  	[tilespmem:$0x910] =	vst v0  }
0x2b: {  	[tilespmem:$0x920] =	vst v0  }
0x2c: {  	[tilespmem:$0x930] =	vst v0  }
0x2d: {  	[tilespmem:$0x940] =	vst v0  }
0x2e: {  	[tilespmem:$0x950] =	vst v0  }
0x2f: {  	[tilespmem:$0x960] =	vst v0  }
0x30: {  	[tilespmem:$0x970] =	vst v0  }
0x31: {  	[tilespmem:$0x980] =	vst v0  }
0x32: {  	[tilespmem:$0x990] =	vst v0  }
0x33: {  	[tilespmem:$0x9A0] =	vst v0  }
0x34: {  	[tilespmem:$0x9B0] =	vst v0  }
0x35: {  	[tilespmem:$0x9C0] =	vst v0  }
0x36: {  	[tilespmem:$0x9D0] =	vst v0  }
0x37: {  	[tilespmem:$0x9E0] =	vst v0  }
0x38: {  	[tilespmem:$0x9F0] =	vst v0  }
0x39: {  	[tilespmem:$0xA00] =	vst v0  }
0x3a: {  	[tilespmem:$0xA10] =	vst v0  }
0x3b: {  	[tilespmem:$0xA20] =	vst v0  }
0x3c: {  	[tilespmem:$0xA30] =	vst v0  }
0x3d: {  	[tilespmem:$0xA40] =	vst v0  }
0x3e: {  	[tilespmem:$0xA50] =	vst v0  }
0x3f: {  	[tilespmem:$0xA60] =	vst v0  }
0x40: {  	[tilespmem:$0xA70] =	vst v0  }
0x41: {  	[tilespmem:$0xA80] =	vst v0  }
0x42: {  	[tilespmem:$0xA90] =	vst v0  }
0x43: {  	[tilespmem:$0xAA0] =	vst v0  }
0x44: {  	[tilespmem:$0xAB0] =	vst v0  }
0x45: {  	[tilespmem:$0xAC0] =	vst v0  }
0x46: {  	[tilespmem:$0xAD0] =	vst v0  }
0x47: {  	[tilespmem:$0xAE0] =	vst v0  }
0x48: {  	[tilespmem:$0xAF0] =	vst v0  }
0x49: {  	[tilespmem:$0xB00] =	vst v0  }
0x4a: {  	[tilespmem:$0xB10] =	vst v0  }
0x4b: {  	[tilespmem:$0xB20] =	vst v0  }
0x4c: {  	[tilespmem:$0xB30] =	vst v0  }
0x4d: {  	[tilespmem:$0xB40] =	vst v0  }
0x4e: {  	[tilespmem:$0xB50] =	vst v0  }
0x4f: {  	[tilespmem:$0xB60] =	vst v0  }
0x50: {  	[tilespmem:$0xB70] =	vst v0  }
0x51: {  	[tilespmem:$0xB80] =	vst v0  }
0x52: {  	[tilespmem:$0xB90] =	vst v0  }
0x53: {  	[tilespmem:$0xBA0] =	vst v0  }
0x54: {  	[tilespmem:$0xBB0] =	vst v0  }
0x55: {  	[tilespmem:$0xBC0] =	vst v0  }
0x56: {  	[tilespmem:$0xBD0] =	vst v0  }
0x57: {  	[tilespmem:$0xBE0] =	vst v0  }
0x58: {  	[tilespmem:$0xBF0] =	vst v0  }
0x59: {  	[tilespmem:$0xC00] =	vst v0  }
0x5a: {  	[tilespmem:$0xC10] =	vst v0  }
0x5b: {  	[tilespmem:$0xC20] =	vst v0  }
0x5c: {  	[tilespmem:$0xC30] =	vst v0  }
0x5d: {  	[tilespmem:$0xC40] =	vst v0  }
0x5e: {  	[tilespmem:$0xC50] =	vst v0  }
0x5f: {  	[tilespmem:$0xC60] =	vst v0  }
0x60: {  	[tilespmem:$0xC70] =	vst v0  }
0x61: {  	[tilespmem:$0xC80] =	vst v0  }
0x62: {  	[tilespmem:$0xC90] =	vst v0  }
0x63: {  	[tilespmem:$0xCA0] =	vst v0  }
0x64: {  	[tilespmem:$0xCB0] =	vst v0  }
0x65: {  	[tilespmem:$0xCC0] =	vst v0  }
0x66: {  	[tilespmem:$0xCD0] =	vst v0  }
0x67: {  	[tilespmem:$0xCE0] =	vst v0  }
0x68: {  	[tilespmem:$0xCF0] =	vst v0  }
0x69: {  	[tilespmem:$0xD00] =	vst v0  }
0x6a: {  	[tilespmem:$0xD10] =	vst v0  }
0x6b: {  	[tilespmem:$0xD20] =	vst v0  }
0x6c: {  	[tilespmem:$0xD30] =	vst v0  }
0x6d: {  	[tilespmem:$0xD40] =	vst v0  }
0x6e: {  	[tilespmem:$0xD50] =	vst v0  }
0x6f: {  	[tilespmem:$0xD60] =	vst v0  }
0x70: {  	[tilespmem:$0xD70] =	vst v0  }
0x71: {  	[tilespmem:$0xD80] =	vst v0  }
0x72: {  	[tilespmem:$0xD90] =	vst v0  }
0x73: {  	[tilespmem:$0xDA0] =	vst v0  }
0x74: {  	[tilespmem:$0xDB0] =	vst v0  }
0x75: {  	[tilespmem:$0xDC0] =	vst v0  }
0x76: {  	[tilespmem:$0xDD0] =	vst v0  }
0x77: {  	[tilespmem:$0xDE0] =	vst v0  }
0x78: {  	[tilespmem:$0xDF0] =	vst v0  }
0x79: {  	[tilespmem:$0xE00] =	vst v0  }
0x7a: {  	[tilespmem:$0xE10] =	vst v0  }
0x7b: {  	[tilespmem:$0xE20] =	vst v0  }
0x7c: {  	[tilespmem:$0xE30] =	vst v0  }
0x7d: {  	[tilespmem:$0xE40] =	vst v0  }
0x7e: {  	[tilespmem:$0xE50] =	vst v0  }
0x7f: {  	[tilespmem:$0xE60] =	vst v0  }
0x80: {  	[tilespmem:$0xE70] =	vst v0  }
0x81: {  	[tilespmem:$0xE80] =	vst v0  }
0x82: {  	[tilespmem:$0xE90] =	vst v0  }
0x83: {  	[tilespmem:$0xEA0] =	vst v0  }
0x84: {  	[tilespmem:$0xEB0] =	vst v0  }
0x85: {  	[tilespmem:$0xEC0] =	vst v0  }
0x86: {  	[tilespmem:$0xED0] =	vst v0  }
0x87: {  	[tilespmem:$0xEE0] =	vst v0  }
0x88: {  	[tilespmem:$0xEF0] =	vst v0  }
0x89: {  	[tilespmem:$0xF00] =	vst v0  }
0x8a: {  	[tilespmem:$0xF10] =	vst v0  }
0x8b: {  	[tilespmem:$0xF20] =	vst v0  }
0x8c: {  	[tilespmem:$0xF30] =	vst v0  }
0x8d: {  	[tilespmem:$0xF40] =	vst v0  }
0x8e: {  	[tilespmem:$0xF50] =	vst v0  }
0x8f: {  	[tilespmem:$0xF60] =	vst v0  }
0x90: {  	[tilespmem:$0xF70] =	vst v0  }
0x91: {  	[tilespmem:$0xF80] =	vst v0  }
0x92: {  	[tilespmem:$0xF90] =	vst v0  }
0x93: {  	[tilespmem:$0xFA0] =	vst v0  }
0x94: {  	[tilespmem:$0xFB0] =	vst v0  }
0x95: {  	[tilespmem:$0xFC0] =	vst v0  }
0x96: {  	[tilespmem:$0xFD0] =	vst v0  }
0x97: {  	[tilespmem:$0xFE0] =	vst v0  }
0x98: {  	[tilespmem:$0xFF0] =	vst v0  }
0x99: {  	[tilespmem:s9], [sflag:$0x1] =	stream.indirect.gather.add.bf16 [hbm:s3], $0x10, s2, s6, $0xb8;
	[tilespmem:$0x1800] =	vst v63  }
0x9a: {  	_ = 	snop  }
0x9b: {  	[tilespmem:s9], [sflag:$0x1] =	stream.indirect.gather.add.bf16 [hbm:s3], $0x10, s6, s6, $0xb8;
	[tilespmem:$0x1800] =	vst v63  }
0x9c: {  	_ = 	snop  }
0x9d: {  	[tilespmem:s9], [sflag:$0x1] =	stream.indirect.gather.add.bf16 [hbm:s3], $0x10, s10, s6, $0xb8;
	[tilespmem:$0x1800] =	vst v63  }
0x9e: {  	_ = 	snop  }
0x9f: {  	[tilespmem:s9], [sflag:$0x1] =	stream.indirect.gather.add.bf16 [hbm:s3], $0x10, s11, s6, $0xb8;
	[tilespmem:$0x1800] =	vst v63  }
0xa0: {  	_ = 	snop  }
0xa1: {  	[tilespmem:s9], [sflag:$0x1] =	stream.indirect.gather.add.bf16 [hbm:s3], $0x10, s12, s6, $0xb8;
	[tilespmem:$0x1800] =	vst v63  }
0xa2: {  	_ = 	snop  }
0xa3: {  	[tilespmem:s9], [sflag:$0x1] =	stream.indirect.gather.add.bf16 [hbm:s3], $0x10, s13, s6, $0xb8;
	[tilespmem:$0x1800] =	vst v63  }
0xa4: {  	_ = 	snop  }
0xa5: {  	[tilespmem:s9], [sflag:$0x1] =	stream.indirect.gather.add.bf16 [hbm:s3], $0x10, s14, s6, $0xb8;
	[tilespmem:$0x1800] =	vst v63  }
0xa6: {  	_ = 	snop  }
0xa7: {  	[tilespmem:s9], [sflag:$0x1] =	stream.indirect.gather.add.bf16 [hbm:s3], $0x10, s15, s6, $0xb8;
	[tilespmem:$0x1800] =	vst v63  }
0xa8: {  	_ = 	snop  }
0xa9: {  	[tilespmem:s9], [sflag:$0x1] =	stream.indirect.gather.add.bf16 [hbm:s3], $0x10, s16, s6, $0xb8;
	[tilespmem:$0x1800] =	vst v63  }
0xaa: {  	_ = 	snop  }
0xab: {  	[tilespmem:s9], [sflag:$0x1] =	stream.indirect.gather.add.bf16 [hbm:s3], $0x10, s17, s6, $0xb8;
	[tilespmem:$0x1800] =	vst v63  }
0xac: {  	_ = 	snop  }
0xad: {  	[tilespmem:s9], [sflag:$0x1] =	stream.indirect.gather.add.bf16 [hbm:s3], $0x10, s18, s6, $0xb8;
	[tilespmem:$0x1800] =	vst v63  }
0xae: {  	_ = 	snop  }
0xaf: {  	[tilespmem:s9], [sflag:$0x1] =	stream.indirect.gather.add.bf16 [hbm:s3], $0x10, s19, s6, $0xb8;
	[tilespmem:$0x1800] =	vst v63  }
0xb0: {  	_ = 	snop  }
0xb1: {  	[tilespmem:s9], [sflag:$0x1] =	stream.indirect.gather.add.bf16 [hbm:s3], $0x10, s20, s6, $0xb8;
	[tilespmem:$0x1800] =	vst v63  }
0xb2: {  	_ = 	snop  }
0xb3: {  	[tilespmem:s9], [sflag:$0x1] =	stream.indirect.gather.add.bf16 [hbm:s3], $0x10, s21, s6, $0xb8;
	[tilespmem:$0x1800] =	vst v63  }
0xb4: {  	_ = 	snop  }
0xb5: {  	[tilespmem:s9], [sflag:$0x1] =	stream.indirect.gather.add.bf16 [hbm:s3], $0x10, s22, s6, $0xb8;
	[tilespmem:$0x1800] =	vst v63  }
0xb6: {  	_ = 	snop  }
0xb7: {  	[tilespmem:s24], [sflag:$0x2] =	stream.indirect.gather [hbm4b:s3+s6], $0x10, s23, s6, $0xb8;
	[tilespmem:$0x1800] =	vst v63  }
0xb8: {  	_ =	swait.ge [sflag:s25], $0x800  }
0xb9: {  	[sflag:s25] =	ssyncset.done $0x0  }
0xba: {  	[sflag:s25] =	ssyncadd.s32 $0xFFFFF800  }
0xbb: {  	_ =	swait.ge [sflag:s25], $0x800  }
0xbc: {  	[sflag:s25] =	ssyncset.done $0x0  }
0xbd: {  	[sflag:s25] =	ssyncadd.s32 $0xFFFFF800  }
0xbe: {  	_ =	swait.ge [sflag:s25], $0x800  }
0xbf: {  	[sflag:s25] =	ssyncset.done $0x0  }
0xc0: {  	[sflag:s25] =	ssyncadd.s32 $0xFFFFF800  }
0xc1: {  	_ =	swait.ge [sflag:s25], $0x800  }
0xc2: {  	[sflag:s25] =	ssyncset.done $0x0  }
0xc3: {  	[sflag:s25] =	ssyncadd.s32 $0xFFFFF800  }
0xc4: {  	_ =	swait.ge [sflag:s25], $0x800  }
0xc5: {  	[sflag:s25] =	ssyncset.done $0x0  }
0xc6: {  	[sflag:s25] =	ssyncadd.s32 $0xFFFFF800  }
0xc7: {  	_ =	swait.ge [sflag:s25], $0x800  }
0xc8: {  	[sflag:s25] =	ssyncset.done $0x0  }
0xc9: {  	[sflag:s25] =	ssyncadd.s32 $0xFFFFF800  }
0xca: {  	_ =	swait.ge [sflag:s25], $0x800  }
0xcb: {  	[sflag:s25] =	ssyncset.done $0x0  }
0xcc: {  	[sflag:s25] =	ssyncadd.s32 $0xFFFFF800  }
0xcd: {  	_ =	swait.ge [sflag:s25], $0x800  }
0xce: {  	[sflag:s25] =	ssyncset.done $0x0  }
0xcf: {  	[sflag:s25] =	ssyncadd.s32 $0xFFFFF800  }
0xd0: {  	_ =	swait.ge [sflag:s25], $0x800  }
0xd1: {  	[sflag:s25] =	ssyncset.done $0x0  }
0xd2: {  	[sflag:s25] =	ssyncadd.s32 $0xFFFFF800  }
0xd3: {  	_ =	swait.ge [sflag:s25], $0x800  }
0xd4: {  	[sflag:s25] =	ssyncset.done $0x0  }
0xd5: {  	[sflag:s25] =	ssyncadd.s32 $0xFFFFF800  }
0xd6: {  	_ =	swait.ge [sflag:s25], $0x800  }
0xd7: {  	[sflag:s25] =	ssyncset.done $0x0  }
0xd8: {  	[sflag:s25] =	ssyncadd.s32 $0xFFFFF800  }
0xd9: {  	_ =	swait.ge [sflag:s25], $0x800  }
0xda: {  	[sflag:s25] =	ssyncset.done $0x0  }
0xdb: {  	[sflag:s25] =	ssyncadd.s32 $0xFFFFF800  }
0xdc: {  	_ =	swait.ge [sflag:s25], $0x800  }
0xdd: {  	[sflag:s25] =	ssyncset.done $0x0  }
0xde: {  	[sflag:s25] =	ssyncadd.s32 $0xFFFFF800  }
0xdf: {  	_ =	swait.ge [sflag:s25], $0x800  }
0xe0: {  	[sflag:s25] =	ssyncset.done $0x0  }
0xe1: {  	[sflag:s25] =	ssyncadd.s32 $0xFFFFF800  }
0xe2: {  	_ =	swait.ge [sflag:s25], $0x800  }
0xe3: {  	[sflag:s25] =	ssyncset.done $0x0  }
0xe4: {  	[sflag:s25] =	ssyncadd.s32 $0xFFFFF800  }
0xe5: {  	_ =	swait.ge [sflag:s26], $0x800  }
0xe6: {  	[sflag:s26] =	ssyncset.done $0x0  }
0xe7: {  	s1 =	sadd.s32 $0xFFFFFFFE, s31;
	[sflag:s26] =	ssyncadd.s32 $0xFFFFF800  }
0xe8: {  	[hbm4b:s1+s28] =	stream.strided.scatter [tilespmem:s9], [sflag:$0x3], $0x800, s29, s28, $0x38;
	[tilespmem:$0x1800] =	vst v63  }
0xe9: {  	_ =	swait.ge [sflag:s8], $0x800  }
0xea: {  	p0 =	sne.s32 s0, $0xF0;
	[sflag:s8] =	ssyncset.done $0x0  }
.Ltmp0:
0xeb: {  	[sflag:s8] =	ssyncadd.s32 $0xFFFFF800;
	(pc) =	sbr.rel @p0 .LBB2_2-.Ltmp0, $4  }
0xec: {  	[hbm4b:s31+s28] =	stream.strided.scatter [tilespmem:s24], [sflag:$0x3], $0x800, s29, s28, $0x38;
	[tilespmem:$0x1800] =	vst v63  }
0xed: {  	_ =	swait.ge [sflag:s8], $0x800  }
0xee: {  	[sflag:s8] =	ssyncset.done $0x0  }
0xef: {  	s0 =	sadd.s32 $0x10, s0;
	s31 =	sadd.s32 $0x200, s31;
	[sflag:s8] =	ssyncadd.s32 $0xFFFFF800  }
0xf0: {  	s30 =	sadd.s32 $0x1, s30  }
0xf1: {  	p0 =	sne.s32 s30, s4  }
.Ltmp1:
0xf2: {  	_ = 	snop;
	(pc) =	sbr.rel @p0 .LBB2_1-.Ltmp1, $1  }
0xf3: {  	_ =	sdelay $0x3  }
0xf4: {  	_ =	sfence.sel $0x180000  }
0xf5: {  	[bflag:$0x0] =	sbarrier.arrive $0xFFFF  }
0xf6: {  	_ =	strace $0x90000047  }
0xf7: {  	s0 =	stileid.u32;
	[bflag:$0x2] =	sbarrier.arrive $0xFFFF  }
0xf8: {  	p0 =	sne.s32 s0, $0x0;
	s0 =	rddreg [dreg:$0x2]  }
0xf9: {  	s0 =	sadd.s32 @!p0 $0x100000, s0  }
0xfa: {  	[sflag:s0] =	ssyncadd.tile.s32 @!p0 $0x1;
	_ =	shalt  }
.Lfunc_end2:
_tile_overlayer_lowered:
.L_overlay_start_2:
0xfb: {  	(tag) =	ssettag $0x2  }
0xfc: {  	s0 =	rddreg [dreg:$0x0];
	s2 =	stileid.u32  }
0xfd: {  	s1 =	rddreg [dreg:$0x1];
	p0 =	sne.s32 s2, $0x0  }
0xfe: {  	s3 =	rddreg [dreg:$0x2];
	[bflag:$0x3] =	sbarrier.arrive $0xFFFF;
	s2 =	simm.s32 @!p0 $0x1C03  }
0xff: {  	[timem:s3], [sflag:s2] =	dma.local @!p0 [hbm:s0], s1  }
0x100: {  	s0 =	simm.s32 @!p0 $0x3  }
0x101: {  	_ =	swait.ge @!p0 [sflag:s0], s1  }
0x102: {  	s1 =	ssub.s32 @!p0 $0x0, s1;
	[sflag:s0] =	ssyncset.done @!p0 $0x0  }
0x103: {  	[sflag:s0] =	ssyncadd.s32 @!p0 s1  }
0x104: {  	[bflag:$0x3] =	sbarrier.arrive $0xFFFF  }
0x105: {  	_ =	shalt  }

</sc_bundles>
